<compile_context>
chip_gen: v7x
topology: tpu7x:2x2x1
jax: 0.10.2.dev20260603
libtpu: 0.0.44.dev20260713+nightly
codegen_flags: <defaults>
</compile_context>

<pallas_src>
import functools

import jax
import jax.numpy as jnp
from jax import lax
from jax.experimental import pallas as pl
from jax.experimental.pallas import tpu as pltpu
from jax.experimental.pallas import tpu_sc as plsc

NC = 2
NS = 16
LANES = 16
CHUNK1 = 2000
CHUNK2 = 200



def _t1_body(h_ref, w1_ref, w2_ref, w4x_ref, w3_ref, wv_ref,
             a1_ref, a2_ref, v_ref, w34_ref):
    h = h_ref[...]
    w14 = jnp.dot(w1_ref[...], w4x_ref[...], preferred_element_type=jnp.float32)
    w24 = jnp.dot(w2_ref[...], w4x_ref[...], preferred_element_type=jnp.float32)
    a1_ref[...] = jnp.dot(h, w14, preferred_element_type=jnp.float32)
    a2_ref[...] = jnp.dot(h, w24, preferred_element_type=jnp.float32)
    v_ref[...] = jnp.dot(h, wv_ref[...], preferred_element_type=jnp.float32)
    w34_ref[...] = jnp.dot(w3_ref[...], w4x_ref[...],
                           preferred_element_type=jnp.float32)


def _t1(H, W1, W2, W4x, W3, Wv):
    N, D = H.shape
    H2 = W4x.shape[1]
    BN = 1000
    grid = (N // BN,)
    f32 = jnp.float32
    return pl.pallas_call(
        _t1_body,
        grid=grid,
        in_specs=[
            pl.BlockSpec((BN, D), lambda i: (i, 0)),
            pl.BlockSpec((D, D), lambda i: (0, 0)),
            pl.BlockSpec((D, D), lambda i: (0, 0)),
            pl.BlockSpec((D, H2), lambda i: (0, 0)),
            pl.BlockSpec((1, D), lambda i: (0, 0)),
            pl.BlockSpec((D, D), lambda i: (0, 0)),
        ],
        out_specs=[
            pl.BlockSpec((BN, H2), lambda i: (i, 0)),
            pl.BlockSpec((BN, H2), lambda i: (i, 0)),
            pl.BlockSpec((BN, D), lambda i: (i, 0)),
            pl.BlockSpec((1, H2), lambda i: (0, 0)),
        ],
        out_shape=[
            jax.ShapeDtypeStruct((N, H2), f32),
            jax.ShapeDtypeStruct((N, H2), f32),
            jax.ShapeDtypeStruct((N, D), f32),
            jax.ShapeDtypeStruct((1, H2), f32),
        ],
    )(H, W1, W2, W4x, W3, Wv)


def _t2_body(agg_ref, h_ref, wout_ref, wres_ref, wb_ref, rb_ref, g_ref, b_ref,
             y_ref):
    a = agg_ref[0] + agg_ref[1]
    x = jnp.dot(a, wout_ref[...], preferred_element_type=jnp.float32)
    x = x + jnp.dot(h_ref[...], wres_ref[...], preferred_element_type=jnp.float32)
    x = x + wb_ref[...] + rb_ref[...]
    mu = jnp.mean(x, axis=-1, keepdims=True)
    xc = x - mu
    var = jnp.mean(xc * xc, axis=-1, keepdims=True)
    y_ref[...] = g_ref[...] * (xc * lax.rsqrt(var + 1e-5)) + b_ref[...]


def _t2(agg, H, Wout_w, res_w, wout_b, res_b, ln_g, ln_b):
    N, D = H.shape
    BN = 1000
    grid = (N // BN,)
    return pl.pallas_call(
        _t2_body,
        grid=grid,
        in_specs=[
            pl.BlockSpec((NC, BN, D), lambda i: (0, i, 0)),
            pl.BlockSpec((BN, D), lambda i: (i, 0)),
            pl.BlockSpec((D, D), lambda i: (0, 0)),
            pl.BlockSpec((D, D), lambda i: (0, 0)),
            pl.BlockSpec((1, D), lambda i: (0, 0)),
            pl.BlockSpec((1, D), lambda i: (0, 0)),
            pl.BlockSpec((1, D), lambda i: (0, 0)),
            pl.BlockSpec((1, D), lambda i: (0, 0)),
        ],
        out_specs=pl.BlockSpec((BN, D), lambda i: (i, 0)),
        out_shape=jax.ShapeDtypeStruct((N, D), jnp.float32),
    )(agg, H, Wout_w, res_w, wout_b, res_b, ln_g, ln_b)



def _sc1_body(Np, E, a1_hbm, a2_hbm, dst_hbm, src_hbm, p_hbm, det_hbm,
              w34_hbm, z16_hbm,
              exp_hbm, s0_hbm, s1_hbm,
              dstb, srcb, a1b, a2b, pb, detb, expb, w34v, sem, s_sh):
    cid = lax.axis_index("c")
    sid = lax.axis_index("s")
    e_per_w = E // (NC * NS)
    n_chunks = e_per_w // CHUNK1
    base = (cid * NS + sid) * e_per_w
    rpt = Np // NS
    r0 = sid * rpt

    pltpu.sync_copy(z16_hbm.at[pl.ds(r0, rpt)], s_sh.at[pl.ds(r0, rpt)])
    pltpu.sync_copy(w34_hbm, w34v)
    plsc.subcore_barrier()

    def chunk_body(c, carry):
        cb = base + c * CHUNK1
        pltpu.sync_copy(dst_hbm.at[pl.ds(cb, CHUNK1)], dstb)
        pltpu.sync_copy(src_hbm.at[pl.ds(cb, CHUNK1)], srcb)
        pltpu.sync_copy(p_hbm.at[pl.ds(cb, CHUNK1)], pb)
        pltpu.sync_copy(det_hbm.at[pl.ds(cb, CHUNK1)], detb)
        g1 = pltpu.async_copy(a1_hbm.at[dstb], a1b, sem)
        g2 = pltpu.async_copy(a2_hbm.at[srcb], a2b, sem)
        g1.wait()
        g2.wait()
        w34 = w34v[...]

        def edge_body(i, ecarry):
            iv = jnp.full((LANES,), i, jnp.int32)
            pv = plsc.load_gather(pb, [iv])
            dv = plsc.load_gather(detb, [iv])
            l = a1b[i, :] + a2b[i, :] + pv * w34 + dv
            l = jnp.where(l >= 0.0, l, 0.2 * l)
            expb[i, :] = jnp.exp(l)
            return ecarry

        lax.fori_loop(0, CHUNK1, edge_body, 0)
        pltpu.sync_copy(expb, s_sh.at[dstb], add=True)
        pltpu.sync_copy(expb, exp_hbm.at[pl.ds(cb, CHUNK1)])
        return carry

    lax.fori_loop(0, n_chunks, chunk_body, 0)
    plsc.subcore_barrier()

    @pl.when(cid == 0)
    def _():
        pltpu.sync_copy(s_sh.at[pl.ds(r0, rpt)], s0_hbm.at[pl.ds(r0, rpt)])

    @pl.when(cid == 1)
    def _():
        pltpu.sync_copy(s_sh.at[pl.ds(r0, rpt)], s1_hbm.at[pl.ds(r0, rpt)])


def _sc1(A1, A2, dst, src, P_edge, deter_edge, w34, z16):
    Np = z16.shape[0]
    E = dst.shape[0]
    H2 = A1.shape[1]
    f32 = jnp.float32
    mesh = plsc.VectorSubcoreMesh(core_axis_name="c", subcore_axis_name="s",
                                  num_cores=NC, num_subcores=NS)
    k = pl.kernel(
        functools.partial(_sc1_body, Np, E),
        out_type=(
            jax.ShapeDtypeStruct((E, H2), f32),
            jax.ShapeDtypeStruct((Np, H2), f32),
            jax.ShapeDtypeStruct((Np, H2), f32),
        ),
        mesh=mesh,
        compiler_params=pltpu.CompilerParams(needs_layout_passes=False, use_tc_tiling_on_sc=False),
        scratch_types=[
            pltpu.VMEM((CHUNK1,), jnp.int32),
            pltpu.VMEM((CHUNK1,), jnp.int32),
            pltpu.VMEM((CHUNK1, H2), f32),
            pltpu.VMEM((CHUNK1, H2), f32),
            pltpu.VMEM((CHUNK1,), f32),
            pltpu.VMEM((CHUNK1,), f32),
            pltpu.VMEM((CHUNK1, H2), f32),
            pltpu.VMEM((LANES,), f32),
            pltpu.SemaphoreType.DMA,
            pltpu.VMEM_SHARED((Np, H2), f32),
        ],
    )
    return k(A1, A2, dst, src, P_edge, deter_edge, w34, z16)


def _sc2_body(Np, E, NH, HD, v_hbm, s0_hbm, s1_hbm, exp_hbm, dst_hbm, src_hbm,
              z128_hbm,
              agg_hbm,
              dstb, srcb, vrows, expb, s0b, s1b, sem, agg_sh):
    cid = lax.axis_index("c")
    sid = lax.axis_index("s")
    e_per_w = E // (NC * NS)
    n_chunks = e_per_w // CHUNK2
    base = (cid * NS + sid) * e_per_w
    rpt = Np // NS
    r0 = sid * rpt

    pltpu.sync_copy(z128_hbm.at[pl.ds(r0, rpt)], agg_sh.at[pl.ds(r0, rpt)])
    plsc.subcore_barrier()

    def chunk_body(c, carry):
        cb = base + c * CHUNK2
        pltpu.sync_copy(dst_hbm.at[pl.ds(cb, CHUNK2)], dstb)
        pltpu.sync_copy(src_hbm.at[pl.ds(cb, CHUNK2)], srcb)
        g1 = pltpu.async_copy(v_hbm.at[srcb], vrows, sem)
        g2 = pltpu.async_copy(s0_hbm.at[dstb], s0b, sem)
        g3 = pltpu.async_copy(s1_hbm.at[dstb], s1b, sem)
        pltpu.sync_copy(exp_hbm.at[pl.ds(cb, CHUNK2)], expb)
        g1.wait()
        g2.wait()
        g3.wait()

        def edge_body(i, ecarry):
            alpha = expb[i, :] / (s0b[i, :] + s1b[i, :] + 1e-12)
            for j in range(NH):
                sl = vrows[i, pl.ds(j * HD, HD)]
                vrows[i, pl.ds(j * HD, HD)] = sl * alpha
            return ecarry

        lax.fori_loop(0, CHUNK2, edge_body, 0)
        pltpu.sync_copy(vrows, agg_sh.at[dstb], add=True)
        return carry

    lax.fori_loop(0, n_chunks, chunk_body, 0)
    plsc.subcore_barrier()
    pltpu.sync_copy(agg_sh.at[pl.ds(r0, rpt)],
                    agg_hbm.at[cid, pl.ds(r0, rpt)])


def _sc2(V, s0, s1, exp_e, dst, src, z128):
    D = V.shape[1]
    Np = z128.shape[0]
    E = dst.shape[0]
    H2 = exp_e.shape[1]
    NH = H2 // 2
    HD = D // NH
    f32 = jnp.float32
    mesh = plsc.VectorSubcoreMesh(core_axis_name="c", subcore_axis_name="s",
                                  num_cores=NC, num_subcores=NS)
    k = pl.kernel(
        functools.partial(_sc2_body, Np, E, NH, HD),
        out_type=jax.ShapeDtypeStruct((NC, Np, D), f32),
        mesh=mesh,
        compiler_params=pltpu.CompilerParams(needs_layout_passes=False, use_tc_tiling_on_sc=False),
        scratch_types=[
            pltpu.VMEM((CHUNK2,), jnp.int32),
            pltpu.VMEM((CHUNK2,), jnp.int32),
            pltpu.VMEM((CHUNK2, D), f32),
            pltpu.VMEM((CHUNK2, H2), f32),
            pltpu.VMEM((CHUNK2, H2), f32),
            pltpu.VMEM((CHUNK2, H2), f32),
            pltpu.SemaphoreType.DMA,
            pltpu.VMEM_SHARED((Np, D), f32),
        ],
    )
    return k(V, s0, s1, exp_e, dst, src, z128)



def kernel(H, edge_index, P_edge, deter_edge, W1, W2, W3, W4, Wv,
           Wout_w, Wout_b, res_w, res_b, ln_g, ln_b):
    N, D = H.shape
    E = edge_index.shape[1]
    NH = W4.shape[1]
    H2 = 2 * NH
    f32 = jnp.float32

    src = edge_index[0]
    dst = edge_index[1]
    W4x = jnp.concatenate([W4, W4], axis=1)
    HD = D // NH
    perm = (jnp.arange(D) % NH) * HD + jnp.arange(D) // NH
    Wv_p = Wv[:, perm]
    Wout_p = Wout_w[perm, :]

    A1, A2, V, w34row = _t1(H, W1, W2, W4x, W3, Wv_p)
    w34 = w34row.reshape(H2)

    Np = -(-N // (NS * 8)) * (NS * 8)
    z16 = jnp.zeros((Np, H2), f32)
    z128 = jnp.zeros((Np, D), f32)

    exp_e, s0, s1 = _sc1(A1, A2, dst, src, P_edge, deter_edge, w34, z16)
    agg = _sc2(V, s0, s1, exp_e, dst, src, z128)

    y = _t2(agg, H, Wout_p, res_w, Wout_b.reshape(1, D), res_b.reshape(1, D),
            ln_g.reshape(1, D), ln_b.reshape(1, D))
    return y

# --- scband reference (transcript-rebuilt; emitter-appended) ---
"""Pipeline reference for scband-static-sparse-gat-44169443672636 (READ-ONLY COPY).

The authoritative reference and input builder live on the scoring server;
editing this copy changes nothing except your own understanding.
"""

import jax, jax.numpy as jnp
import numpy as np

N = 10000
E = 320000
D = 128
NH = 8
HD = D // NH


def setup_inputs(seed: int = 0) -> dict:
    key = jax.random.key(seed)
    ks = jax.random.split(key, 16)
    s = 1.0 / np.sqrt(D)
    inp = {
        "H": jax.random.normal(ks[0], (N, D), dtype=jnp.float32),
        "edge_index": jax.random.randint(ks[1], (2, E), 0, N, dtype=jnp.int32),
        "P_edge": jax.random.normal(ks[2], (E,), dtype=jnp.float32),
        "deter_edge": jax.random.normal(ks[3], (E,), dtype=jnp.float32),
        # learned parameters (torch Linear(in, out) -> matrix [in, out], y = x @ W)
        "W1": jax.random.normal(ks[4], (D, D), dtype=jnp.float32) * s,
        "W2": jax.random.normal(ks[5], (D, D), dtype=jnp.float32) * s,
        "W3": jax.random.normal(ks[6], (1, D), dtype=jnp.float32),
        "W4": jax.random.normal(ks[7], (D, NH), dtype=jnp.float32) * s,
        "Wv": jax.random.normal(ks[8], (D, D), dtype=jnp.float32) * s,
        "Wout_w": jax.random.normal(ks[9], (D, D), dtype=jnp.float32) * s,
        "Wout_b": jnp.zeros((D,), dtype=jnp.float32),
        "res_w": jax.random.normal(ks[10], (D, D), dtype=jnp.float32) * s,
        "res_b": jnp.zeros((D,), dtype=jnp.float32),
        "ln_g": jnp.ones((D,), dtype=jnp.float32),
        "ln_b": jnp.zeros((D,), dtype=jnp.float32),
    }
    return inp


def reference(H, edge_index, P_edge, deter_edge, W1, W2, W3, W4, Wv,
              Wout_w, Wout_b, res_w, res_b, ln_g, ln_b):
    src = edge_index[0]
    dst = edge_index[1]
    H_W1 = H @ W1
    H_W2 = H @ W2
    V = H @ Wv
    h_i = jnp.take(H_W1, dst, axis=0)
    h_j = jnp.take(H_W2, src, axis=0)
    e_base = h_i + h_j
    # W3: Linear(1, d) applied to P_edge.view(-1, 1)
    e_base = e_base + P_edge[:, None] @ W3
    logits = e_base @ W4
    logits = logits + deter_edge[:, None]
    # LeakyReLU(0.2)
    logits = jnp.where(logits >= 0, logits, 0.2 * logits)
    # per-head numerically-stable softmax over incoming edges of each dst node
    max_per_dst = jax.ops.segment_max(logits, dst, num_segments=N)  # [N, NH]
    max_e = jnp.take(max_per_dst, dst, axis=0)
    exp_e = jnp.exp(logits - max_e)
    sum_per_dst = jax.ops.segment_sum(exp_e, dst, num_segments=N)
    alpha = exp_e / (jnp.take(sum_per_dst, dst, axis=0) + 1e-12)  # [E, NH]
    # dropout is identity in eval mode
    v_e = jnp.take(V, src, axis=0).reshape(E, NH, HD)
    messages = alpha[:, :, None] * v_e
    msgs_flat = messages.reshape(E, NH * HD)
    agg_flat = jax.ops.segment_sum(msgs_flat, dst, num_segments=N)  # [N, D]
    out = agg_flat @ Wout_w + Wout_b
    resid = H @ res_w + res_b
    x = out + resid
    # LayerNorm (biased variance, eps=1e-5)
    mu = jnp.mean(x, axis=-1, keepdims=True)
    var = jnp.mean((x - mu) ** 2, axis=-1, keepdims=True)
    y = ln_g * (x - mu) / jnp.sqrt(var + 1e-5) + ln_b
    return y

if __name__ == "__main__":
    import jax
    _d = setup_inputs()
    print(jax.jit(kernel)(*tuple(_d.values())))

</pallas_src>

<mosaic_0001>
#map = affine_map<(d0, d1) -> (0, 0)>
#map1 = affine_map<(d0, d1) -> (0)>
module attributes {stable_mosaic.version = 14 : i64} {
  func.func @_sc1_body(%arg0: i32, %arg1: i32, %arg2: memref<10000x16xf32, #tpu.memory_space<hbm>>, %arg3: memref<10000x16xf32, #tpu.memory_space<hbm>>, %arg4: memref<320000xi32, #tpu.memory_space<hbm>>, %arg5: memref<320000xi32, #tpu.memory_space<hbm>>, %arg6: memref<320000xf32, #tpu.memory_space<hbm>>, %arg7: memref<320000xf32, #tpu.memory_space<hbm>>, %arg8: memref<16xf32, #tpu.memory_space<hbm>>, %arg9: memref<10112x16xf32, #tpu.memory_space<hbm>>, %arg10: memref<320000x16xf32, #tpu.memory_space<hbm>>, %arg11: memref<10112x16xf32, #tpu.memory_space<hbm>>, %arg12: memref<10112x16xf32, #tpu.memory_space<hbm>>, %arg13: memref<2000xi32, #tpu.memory_space<vmem>>, %arg14: memref<2000xi32, #tpu.memory_space<vmem>>, %arg15: memref<2000x16xf32, #tpu.memory_space<vmem>>, %arg16: memref<2000x16xf32, #tpu.memory_space<vmem>>, %arg17: memref<2000xf32, #tpu.memory_space<vmem>>, %arg18: memref<2000xf32, #tpu.memory_space<vmem>>, %arg19: memref<2000x16xf32, #tpu.memory_space<vmem>>, %arg20: memref<16xf32, #tpu.memory_space<vmem>>, %arg21: memref<!tpu.dma_semaphore, #tpu.memory_space<semaphore_mem>>, %arg22: memref<10112x16xf32, #tpu.memory_space<vmem_shared>>) attributes {dimension_semantics = [#tpu.dimension_semantics<core_parallel>, #tpu.dimension_semantics<subcore_parallel>], iteration_bounds = array<i64: 2, 16>, scalar_prefetch = 0 : i64, scratch_operands = 10 : i64, tpu.core_type = #tpu.core_type<sc_vector_subcore>, window_params = [{transform_indices = #map}, {transform_indices = #map}, {transform_indices = #map1}, {transform_indices = #map1}, {transform_indices = #map1}, {transform_indices = #map1}, {transform_indices = #map1}, {transform_indices = #map}, {transform_indices = #map}, {transform_indices = #map}, {transform_indices = #map}]} {
    %mul3A = arith.constant 16 : i32
    %mul3A_0 = arith.muli %arg0, %mul3A : i32
    %add3A = arith.addi %mul3A_0, %arg1 : i32
    %mul3A_1 = arith.constant 10000 : i32
    %mul3A_2 = arith.muli %add3A, %mul3A_1 : i32
    %mul3A_3 = arith.constant 632 : i32
    %mul3A_4 = arith.muli %arg1, %mul3A_3 : i32
    "tpu.region"() ({
      %run_scoped3A = tpu.sem_alloc : memref<!tpu.dma_semaphore, #tpu.memory_space<semaphore_mem>>
      %dma_start3A = arith.constant 0 : i32
      %dma_start3A_18 = tpu.memref_slice %arg22[%mul3A_4, %dma_start3A] : memref<10112x16xf32, #tpu.memory_space<vmem_shared>> -> memref<632x16xf32, #tpu.memory_space<vmem_shared>>
      %dma_start3A_19 = arith.constant 0 : i32
      %dma_start3A_20 = tpu.memref_slice %arg9[%mul3A_4, %dma_start3A_19] : memref<10112x16xf32, #tpu.memory_space<hbm>> -> memref<632x16xf32, #tpu.memory_space<hbm>>
      tpu.enqueue_dma source(%dma_start3A_20 : memref<632x16xf32, #tpu.memory_space<hbm>>) target(%dma_start3A_18 : memref<632x16xf32, #tpu.memory_space<vmem_shared>>) target_semaphore(%run_scoped3A : memref<!tpu.dma_semaphore, #tpu.memory_space<semaphore_mem>>)
      %dma_wait3A = arith.constant 0 : i32
      %dma_wait3A_21 = tpu.memref_slice %arg22[%mul3A_4, %dma_wait3A] : memref<10112x16xf32, #tpu.memory_space<vmem_shared>> -> memref<632x16xf32, #tpu.memory_space<vmem_shared>>
      %dma_wait3A_22 = arith.constant 0 : i32
      %dma_wait3A_23 = tpu.memref_slice %arg9[%mul3A_4, %dma_wait3A_22] : memref<10112x16xf32, #tpu.memory_space<hbm>> -> memref<632x16xf32, #tpu.memory_space<hbm>>
      tpu.wait_dma2 semaphore(%run_scoped3A : memref<!tpu.dma_semaphore, #tpu.memory_space<semaphore_mem>>) src(%dma_wait3A_23 : memref<632x16xf32, #tpu.memory_space<hbm>>) dst(%dma_wait3A_21 : memref<632x16xf32, #tpu.memory_space<vmem_shared>>)
      tpu.yield
    }) : () -> ()
    "tpu.region"() ({
      %run_scoped3A = tpu.sem_alloc : memref<!tpu.dma_semaphore, #tpu.memory_space<semaphore_mem>>
      tpu.enqueue_dma source(%arg8 : memref<16xf32, #tpu.memory_space<hbm>>) target(%arg20 : memref<16xf32, #tpu.memory_space<vmem>>) target_semaphore(%run_scoped3A : memref<!tpu.dma_semaphore, #tpu.memory_space<semaphore_mem>>)
      tpu.wait_dma2 semaphore(%run_scoped3A : memref<!tpu.dma_semaphore, #tpu.memory_space<semaphore_mem>>) src(%arg8 : memref<16xf32, #tpu.memory_space<hbm>>) dst(%arg20 : memref<16xf32, #tpu.memory_space<vmem>>)
      tpu.yield
    }) : () -> ()
    %barrier3A = arith.constant 0 : index
    tpu.barrier barrier_id(%barrier3A)
    %scan3A = arith.constant 0 : i32
    %scan3A_5 = arith.constant 0 : i32
    %scan3A_6 = arith.constant 5 : i32
    %scan3A_7 = arith.addi %scan3A_5, %scan3A_6 : i32
    %scan3A_8 = arith.constant 1 : i32
    scf.for %scan3A_18 = %scan3A_5 to %scan3A_7 step %scan3A_8  : i32 {
      %mul3A_19 = arith.constant 2000 : i32
      %mul3A_20 = arith.muli %scan3A_18, %mul3A_19 : i32
      %add3A_21 = arith.addi %mul3A_2, %mul3A_20 : i32
      "tpu.region"() ({
        %run_scoped3A = tpu.sem_alloc : memref<!tpu.dma_semaphore, #tpu.memory_space<semaphore_mem>>
        %dma_start3A_39 = tpu.memref_slice %arg4[%add3A_21] : memref<320000xi32, #tpu.memory_space<hbm>> -> memref<2000xi32, #tpu.memory_space<hbm>>
        %dma_start3A_40 = tpu.memref_slice %arg4[%add3A_21] : memref<320000xi32, #tpu.memory_space<hbm>> -> memref<2000xi32, #tpu.memory_space<hbm>>
        tpu.enqueue_dma source(%dma_start3A_40 : memref<2000xi32, #tpu.memory_space<hbm>>) target(%arg13 : memref<2000xi32, #tpu.memory_space<vmem>>) target_semaphore(%run_scoped3A : memref<!tpu.dma_semaphore, #tpu.memory_space<semaphore_mem>>)
        %dma_wait3A_41 = tpu.memref_slice %arg4[%add3A_21] : memref<320000xi32, #tpu.memory_space<hbm>> -> memref<2000xi32, #tpu.memory_space<hbm>>
        %dma_wait3A_42 = tpu.memref_slice %arg4[%add3A_21] : memref<320000xi32, #tpu.memory_space<hbm>> -> memref<2000xi32, #tpu.memory_space<hbm>>
        tpu.wait_dma2 semaphore(%run_scoped3A : memref<!tpu.dma_semaphore, #tpu.memory_space<semaphore_mem>>) src(%dma_wait3A_42 : memref<2000xi32, #tpu.memory_space<hbm>>) dst(%arg13 : memref<2000xi32, #tpu.memory_space<vmem>>)
        tpu.yield
      }) : () -> ()
      "tpu.region"() ({
        %run_scoped3A = tpu.sem_alloc : memref<!tpu.dma_semaphore, #tpu.memory_space<semaphore_mem>>
        %dma_start3A_39 = tpu.memref_slice %arg5[%add3A_21] : memref<320000xi32, #tpu.memory_space<hbm>> -> memref<2000xi32, #tpu.memory_space<hbm>>
        %dma_start3A_40 = tpu.memref_slice %arg5[%add3A_21] : memref<320000xi32, #tpu.memory_space<hbm>> -> memref<2000xi32, #tpu.memory_space<hbm>>
        tpu.enqueue_dma source(%dma_start3A_40 : memref<2000xi32, #tpu.memory_space<hbm>>) target(%arg14 : memref<2000xi32, #tpu.memory_space<vmem>>) target_semaphore(%run_scoped3A : memref<!tpu.dma_semaphore, #tpu.memory_space<semaphore_mem>>)
        %dma_wait3A_41 = tpu.memref_slice %arg5[%add3A_21] : memref<320000xi32, #tpu.memory_space<hbm>> -> memref<2000xi32, #tpu.memory_space<hbm>>
        %dma_wait3A_42 = tpu.memref_slice %arg5[%add3A_21] : memref<320000xi32, #tpu.memory_space<hbm>> -> memref<2000xi32, #tpu.memory_space<hbm>>
        tpu.wait_dma2 semaphore(%run_scoped3A : memref<!tpu.dma_semaphore, #tpu.memory_space<semaphore_mem>>) src(%dma_wait3A_42 : memref<2000xi32, #tpu.memory_space<hbm>>) dst(%arg14 : memref<2000xi32, #tpu.memory_space<vmem>>)
        tpu.yield
      }) : () -> ()
      "tpu.region"() ({
        %run_scoped3A = tpu.sem_alloc : memref<!tpu.dma_semaphore, #tpu.memory_space<semaphore_mem>>
        %dma_start3A_39 = tpu.memref_slice %arg6[%add3A_21] : memref<320000xf32, #tpu.memory_space<hbm>> -> memref<2000xf32, #tpu.memory_space<hbm>>
        %dma_start3A_40 = tpu.memref_slice %arg6[%add3A_21] : memref<320000xf32, #tpu.memory_space<hbm>> -> memref<2000xf32, #tpu.memory_space<hbm>>
        tpu.enqueue_dma source(%dma_start3A_40 : memref<2000xf32, #tpu.memory_space<hbm>>) target(%arg17 : memref<2000xf32, #tpu.memory_space<vmem>>) target_semaphore(%run_scoped3A : memref<!tpu.dma_semaphore, #tpu.memory_space<semaphore_mem>>)
        %dma_wait3A_41 = tpu.memref_slice %arg6[%add3A_21] : memref<320000xf32, #tpu.memory_space<hbm>> -> memref<2000xf32, #tpu.memory_space<hbm>>
        %dma_wait3A_42 = tpu.memref_slice %arg6[%add3A_21] : memref<320000xf32, #tpu.memory_space<hbm>> -> memref<2000xf32, #tpu.memory_space<hbm>>
        tpu.wait_dma2 semaphore(%run_scoped3A : memref<!tpu.dma_semaphore, #tpu.memory_space<semaphore_mem>>) src(%dma_wait3A_42 : memref<2000xf32, #tpu.memory_space<hbm>>) dst(%arg17 : memref<2000xf32, #tpu.memory_space<vmem>>)
        tpu.yield
      }) : () -> ()
      "tpu.region"() ({
        %run_scoped3A = tpu.sem_alloc : memref<!tpu.dma_semaphore, #tpu.memory_space<semaphore_mem>>
        %dma_start3A_39 = tpu.memref_slice %arg7[%add3A_21] : memref<320000xf32, #tpu.memory_space<hbm>> -> memref<2000xf32, #tpu.memory_space<hbm>>
        %dma_start3A_40 = tpu.memref_slice %arg7[%add3A_21] : memref<320000xf32, #tpu.memory_space<hbm>> -> memref<2000xf32, #tpu.memory_space<hbm>>
        tpu.enqueue_dma source(%dma_start3A_40 : memref<2000xf32, #tpu.memory_space<hbm>>) target(%arg18 : memref<2000xf32, #tpu.memory_space<vmem>>) target_semaphore(%run_scoped3A : memref<!tpu.dma_semaphore, #tpu.memory_space<semaphore_mem>>)
        %dma_wait3A_41 = tpu.memref_slice %arg7[%add3A_21] : memref<320000xf32, #tpu.memory_space<hbm>> -> memref<2000xf32, #tpu.memory_space<hbm>>
        %dma_wait3A_42 = tpu.memref_slice %arg7[%add3A_21] : memref<320000xf32, #tpu.memory_space<hbm>> -> memref<2000xf32, #tpu.memory_space<hbm>>
        tpu.wait_dma2 semaphore(%run_scoped3A : memref<!tpu.dma_semaphore, #tpu.memory_space<semaphore_mem>>) src(%dma_wait3A_42 : memref<2000xf32, #tpu.memory_space<hbm>>) dst(%arg18 : memref<2000xf32, #tpu.memory_space<vmem>>)
        tpu.yield
      }) : () -> ()
      %dma_start3A = arith.constant 0 : i32
      %dma_start3A_22 = arith.constant 0 : i32
      %dma_start3A_23 = tpu.memref_slice %arg2[%dma_start3A, %dma_start3A_22] : memref<10000x16xf32, #tpu.memory_space<hbm>> -> memref<10000x16xf32, #tpu.memory_space<hbm>>
      tpu.enqueue_indirect_dma source(%dma_start3A_23 : memref<10000x16xf32, #tpu.memory_space<hbm>>) target(%arg15 : memref<2000x16xf32, #tpu.memory_space<vmem>>) offsets(%arg13 : memref<2000xi32, #tpu.memory_space<vmem>>) semaphore(%arg21 : memref<!tpu.dma_semaphore, #tpu.memory_space<semaphore_mem>>)
      %dma_start3A_24 = arith.constant 0 : i32
      %dma_start3A_25 = arith.constant 0 : i32
      %dma_start3A_26 = tpu.memref_slice %arg3[%dma_start3A_24, %dma_start3A_25] : memref<10000x16xf32, #tpu.memory_space<hbm>> -> memref<10000x16xf32, #tpu.memory_space<hbm>>
      tpu.enqueue_indirect_dma source(%dma_start3A_26 : memref<10000x16xf32, #tpu.memory_space<hbm>>) target(%arg16 : memref<2000x16xf32, #tpu.memory_space<vmem>>) offsets(%arg14 : memref<2000xi32, #tpu.memory_space<vmem>>) semaphore(%arg21 : memref<!tpu.dma_semaphore, #tpu.memory_space<semaphore_mem>>)
      %dma_wait3A = arith.constant 0 : i32
      %dma_wait3A_27 = arith.constant 0 : i32
      %dma_wait3A_28 = tpu.memref_slice %arg2[%dma_wait3A, %dma_wait3A_27] : memref<10000x16xf32, #tpu.memory_space<hbm>> -> memref<10000x16xf32, #tpu.memory_space<hbm>>
      tpu.wait_indirect_dma semaphore(%arg21 : memref<!tpu.dma_semaphore, #tpu.memory_space<semaphore_mem>>) src(%dma_wait3A_28 : memref<10000x16xf32, #tpu.memory_space<hbm>>) dst(%arg15 : memref<2000x16xf32, #tpu.memory_space<vmem>>)
      %dma_wait3A_29 = arith.constant 0 : i32
      %dma_wait3A_30 = arith.constant 0 : i32
      %dma_wait3A_31 = tpu.memref_slice %arg3[%dma_wait3A_29, %dma_wait3A_30] : memref<10000x16xf32, #tpu.memory_space<hbm>> -> memref<10000x16xf32, #tpu.memory_space<hbm>>
      tpu.wait_indirect_dma semaphore(%arg21 : memref<!tpu.dma_semaphore, #tpu.memory_space<semaphore_mem>>) src(%dma_wait3A_31 : memref<10000x16xf32, #tpu.memory_space<hbm>>) dst(%arg16 : memref<2000x16xf32, #tpu.memory_space<vmem>>)
      %get3A = arith.constant 0 : index
      %get3A_32 = tpu.vector_load %arg20[%get3A] {strides = array<i32>} : memref<16xf32, #tpu.memory_space<vmem>>, vector<16xf32>,
      %scan3A_33 = arith.constant 0 : i32
      %scan3A_34 = arith.constant 0 : i32
      %scan3A_35 = arith.constant 2000 : i32
      %scan3A_36 = arith.addi %scan3A_34, %scan3A_35 : i32
      %scan3A_37 = arith.constant 1 : i32
      scf.for %scan3A_39 = %scan3A_34 to %scan3A_36 step %scan3A_37  : i32 {
        %broadcast_in_dim3A = vector.broadcast %scan3A_39 : i32 to vector<16xi32>
        %gather3A = tpu.vector_load_idx %arg17[%broadcast_in_dim3A] : memref<2000xf32, #tpu.memory_space<vmem>>[vector<16xi32>], vector<16xf32>,
        %gather3A_40 = tpu.vector_load_idx %arg18[%broadcast_in_dim3A] : memref<2000xf32, #tpu.memory_space<vmem>>[vector<16xi32>], vector<16xf32>,
        %get3A_41 = arith.index_cast %scan3A_39 : i32 to index
        %get3A_42 = arith.constant 0 : index
        %get3A_43 = tpu.vector_load %arg15[%get3A_41, %get3A_42] {strides = array<i32>} : memref<2000x16xf32, #tpu.memory_space<vmem>>, vector<16xf32>,
        %get3A_44 = arith.index_cast %scan3A_39 : i32 to index
        %get3A_45 = arith.constant 0 : index
        %get3A_46 = tpu.vector_load %arg16[%get3A_44, %get3A_45] {strides = array<i32>} : memref<2000x16xf32, #tpu.memory_space<vmem>>, vector<16xf32>,
        %add3A_47 = arith.addf %get3A_43, %get3A_46 : vector<16xf32>
        %mul3A_48 = arith.mulf %gather3A, %get3A_32 : vector<16xf32>
        %add3A_49 = arith.addf %add3A_47, %mul3A_48 : vector<16xf32>
        %add3A_50 = arith.addf %add3A_49, %gather3A_40 : vector<16xf32>
        %ge3A = arith.constant 0.000000e+00 : f32
        %ge3A_51 = vector.broadcast %ge3A : f32 to vector<16xf32>
        %ge3A_52 = arith.cmpf oge, %add3A_50, %ge3A_51 : vector<16xf32>
        %mul3A_53 = arith.constant 2.000000e-01 : f32
        %mul3A_54 = vector.broadcast %mul3A_53 : f32 to vector<16xf32>
        %mul3A_55 = arith.mulf %mul3A_54, %add3A_50 : vector<16xf32>
        %select_n3A = arith.select %ge3A_52, %add3A_50, %mul3A_55 : vector<16xi1>, vector<16xf32>
        %exp3A = math.exp %select_n3A : vector<16xf32>
        %swap3A = arith.index_cast %scan3A_39 : i32 to index
        %swap3A_56 = arith.constant 0 : index
        %swap3A_57 = tpu.vector_load %arg19[%swap3A, %swap3A_56] {strides = array<i32>} : memref<2000x16xf32, #tpu.memory_space<vmem>>, vector<16xf32>,
        tpu.vector_store %arg19[%swap3A, %swap3A_56], %exp3A {strides = array<i32>} : memref<2000x16xf32, #tpu.memory_space<vmem>>, vector<16xf32>,
      }
      %scan3A_38 = arith.constant 2000 : i32
      "tpu.region"() ({
        %run_scoped3A = tpu.sem_alloc : memref<!tpu.dma_semaphore, #tpu.memory_space<semaphore_mem>>
        %dma_start3A_39 = arith.constant 0 : i32
        %dma_start3A_40 = arith.constant 0 : i32
        %dma_start3A_41 = tpu.memref_slice %arg22[%dma_start3A_39, %dma_start3A_40] : memref<10112x16xf32, #tpu.memory_space<vmem_shared>> -> memref<10112x16xf32, #tpu.memory_space<vmem_shared>>
        tpu.enqueue_indirect_dma source(%arg19 : memref<2000x16xf32, #tpu.memory_space<vmem>>) target(%dma_start3A_41 : memref<10112x16xf32, #tpu.memory_space<vmem_shared>>) offsets(%arg13 : memref<2000xi32, #tpu.memory_space<vmem>>) semaphore(%run_scoped3A : memref<!tpu.dma_semaphore, #tpu.memory_space<semaphore_mem>>) {add = true}
        %dma_wait3A_42 = arith.constant 0 : i32
        %dma_wait3A_43 = arith.constant 0 : i32
        %dma_wait3A_44 = tpu.memref_slice %arg22[%dma_wait3A_42, %dma_wait3A_43] : memref<10112x16xf32, #tpu.memory_space<vmem_shared>> -> memref<10112x16xf32, #tpu.memory_space<vmem_shared>>
        tpu.wait_indirect_dma semaphore(%run_scoped3A : memref<!tpu.dma_semaphore, #tpu.memory_space<semaphore_mem>>) src(%arg19 : memref<2000x16xf32, #tpu.memory_space<vmem>>) dst(%dma_wait3A_44 : memref<10112x16xf32, #tpu.memory_space<vmem_shared>>)
        tpu.yield
      }) : () -> ()
      "tpu.region"() ({
        %run_scoped3A = tpu.sem_alloc : memref<!tpu.dma_semaphore, #tpu.memory_space<semaphore_mem>>
        %dma_start3A_39 = arith.constant 0 : i32
        %dma_start3A_40 = tpu.memref_slice %arg10[%add3A_21, %dma_start3A_39] : memref<320000x16xf32, #tpu.memory_space<hbm>> -> memref<2000x16xf32, #tpu.memory_space<hbm>>
        %dma_start3A_41 = arith.constant 0 : i32
        %dma_start3A_42 = tpu.memref_slice %arg10[%add3A_21, %dma_start3A_41] : memref<320000x16xf32, #tpu.memory_space<hbm>> -> memref<2000x16xf32, #tpu.memory_space<hbm>>
        tpu.enqueue_dma source(%arg19 : memref<2000x16xf32, #tpu.memory_space<vmem>>) target(%dma_start3A_42 : memref<2000x16xf32, #tpu.memory_space<hbm>>) target_semaphore(%run_scoped3A : memref<!tpu.dma_semaphore, #tpu.memory_space<semaphore_mem>>)
        %dma_wait3A_43 = arith.constant 0 : i32
        %dma_wait3A_44 = tpu.memref_slice %arg10[%add3A_21, %dma_wait3A_43] : memref<320000x16xf32, #tpu.memory_space<hbm>> -> memref<2000x16xf32, #tpu.memory_space<hbm>>
        %dma_wait3A_45 = arith.constant 0 : i32
        %dma_wait3A_46 = tpu.memref_slice %arg10[%add3A_21, %dma_wait3A_45] : memref<320000x16xf32, #tpu.memory_space<hbm>> -> memref<2000x16xf32, #tpu.memory_space<hbm>>
        tpu.wait_dma2 semaphore(%run_scoped3A : memref<!tpu.dma_semaphore, #tpu.memory_space<semaphore_mem>>) src(%arg19 : memref<2000x16xf32, #tpu.memory_space<vmem>>) dst(%dma_wait3A_46 : memref<2000x16xf32, #tpu.memory_space<hbm>>)
        tpu.yield
      }) : () -> ()
    }
    %scan3A_9 = arith.constant 5 : i32
    %barrier3A_10 = arith.constant 0 : index
    tpu.barrier barrier_id(%barrier3A_10)
    %eq3A = arith.constant 0 : i32
    %eq3A_11 = arith.cmpi eq, %arg0, %eq3A : i32
    %convert_element_type3A = arith.extui %eq3A_11 : i1 to i32
    %cond3A = arith.constant 0 : i32
    %cond3A_12 = arith.cmpi ne, %convert_element_type3A, %cond3A : i32
    scf.if %cond3A_12 {
      "tpu.region"() ({
        %run_scoped3A = tpu.sem_alloc : memref<!tpu.dma_semaphore, #tpu.memory_space<semaphore_mem>>
        %dma_start3A = arith.constant 0 : i32
        %dma_start3A_18 = tpu.memref_slice %arg11[%mul3A_4, %dma_start3A] : memref<10112x16xf32, #tpu.memory_space<hbm>> -> memref<632x16xf32, #tpu.memory_space<hbm>>
        %dma_start3A_19 = arith.constant 0 : i32
        %dma_start3A_20 = tpu.memref_slice %arg22[%mul3A_4, %dma_start3A_19] : memref<10112x16xf32, #tpu.memory_space<vmem_shared>> -> memref<632x16xf32, #tpu.memory_space<vmem_shared>>
        tpu.enqueue_dma source(%dma_start3A_20 : memref<632x16xf32, #tpu.memory_space<vmem_shared>>) target(%dma_start3A_18 : memref<632x16xf32, #tpu.memory_space<hbm>>) target_semaphore(%run_scoped3A : memref<!tpu.dma_semaphore, #tpu.memory_space<semaphore_mem>>)
        %dma_wait3A = arith.constant 0 : i32
        %dma_wait3A_21 = tpu.memref_slice %arg11[%mul3A_4, %dma_wait3A] : memref<10112x16xf32, #tpu.memory_space<hbm>> -> memref<632x16xf32, #tpu.memory_space<hbm>>
        %dma_wait3A_22 = arith.constant 0 : i32
        %dma_wait3A_23 = tpu.memref_slice %arg22[%mul3A_4, %dma_wait3A_22] : memref<10112x16xf32, #tpu.memory_space<vmem_shared>> -> memref<632x16xf32, #tpu.memory_space<vmem_shared>>
        tpu.wait_dma2 semaphore(%run_scoped3A : memref<!tpu.dma_semaphore, #tpu.memory_space<semaphore_mem>>) src(%dma_wait3A_23 : memref<632x16xf32, #tpu.memory_space<vmem_shared>>) dst(%dma_wait3A_21 : memref<632x16xf32, #tpu.memory_space<hbm>>)
        tpu.yield
      }) : () -> ()
    } else {
    }
    %eq3A_13 = arith.constant 1 : i32
    %eq3A_14 = arith.cmpi eq, %arg0, %eq3A_13 : i32
    %convert_element_type3A_15 = arith.extui %eq3A_14 : i1 to i32
    %cond3A_16 = arith.constant 0 : i32
    %cond3A_17 = arith.cmpi ne, %convert_element_type3A_15, %cond3A_16 : i32
    scf.if %cond3A_17 {
      "tpu.region"() ({
        %run_scoped3A = tpu.sem_alloc : memref<!tpu.dma_semaphore, #tpu.memory_space<semaphore_mem>>
        %dma_start3A = arith.constant 0 : i32
        %dma_start3A_18 = tpu.memref_slice %arg12[%mul3A_4, %dma_start3A] : memref<10112x16xf32, #tpu.memory_space<hbm>> -> memref<632x16xf32, #tpu.memory_space<hbm>>
        %dma_start3A_19 = arith.constant 0 : i32
        %dma_start3A_20 = tpu.memref_slice %arg22[%mul3A_4, %dma_start3A_19] : memref<10112x16xf32, #tpu.memory_space<vmem_shared>> -> memref<632x16xf32, #tpu.memory_space<vmem_shared>>
        tpu.enqueue_dma source(%dma_start3A_20 : memref<632x16xf32, #tpu.memory_space<vmem_shared>>) target(%dma_start3A_18 : memref<632x16xf32, #tpu.memory_space<hbm>>) target_semaphore(%run_scoped3A : memref<!tpu.dma_semaphore, #tpu.memory_space<semaphore_mem>>)
        %dma_wait3A = arith.constant 0 : i32
        %dma_wait3A_21 = tpu.memref_slice %arg12[%mul3A_4, %dma_wait3A] : memref<10112x16xf32, #tpu.memory_space<hbm>> -> memref<632x16xf32, #tpu.memory_space<hbm>>
        %dma_wait3A_22 = arith.constant 0 : i32
        %dma_wait3A_23 = tpu.memref_slice %arg22[%mul3A_4, %dma_wait3A_22] : memref<10112x16xf32, #tpu.memory_space<vmem_shared>> -> memref<632x16xf32, #tpu.memory_space<vmem_shared>>
        tpu.wait_dma2 semaphore(%run_scoped3A : memref<!tpu.dma_semaphore, #tpu.memory_space<semaphore_mem>>) src(%dma_wait3A_23 : memref<632x16xf32, #tpu.memory_space<vmem_shared>>) dst(%dma_wait3A_21 : memref<632x16xf32, #tpu.memory_space<hbm>>)
        tpu.yield
      }) : () -> ()
    } else {
    }
    return
  }
}

#map = affine_map<(d0, d1) -> (0, 0)>
#map1 = affine_map<(d0, d1) -> (0)>
#map2 = affine_map<(d0, d1) -> (0, 0, 0)>
module attributes {stable_mosaic.version = 14 : i64} {
  func.func @_sc2_body(%arg0: i32, %arg1: i32, %arg2: memref<10000x128xf32, #tpu.memory_space<hbm>>, %arg3: memref<10112x16xf32, #tpu.memory_space<hbm>>, %arg4: memref<10112x16xf32, #tpu.memory_space<hbm>>, %arg5: memref<320000x16xf32, #tpu.memory_space<hbm>>, %arg6: memref<320000xi32, #tpu.memory_space<hbm>>, %arg7: memref<320000xi32, #tpu.memory_space<hbm>>, %arg8: memref<10112x128xf32, #tpu.memory_space<hbm>>, %arg9: memref<2x10112x128xf32, #tpu.memory_space<hbm>>, %arg10: memref<200xi32, #tpu.memory_space<vmem>>, %arg11: memref<200xi32, #tpu.memory_space<vmem>>, %arg12: memref<200x128xf32, #tpu.memory_space<vmem>>, %arg13: memref<200x16xf32, #tpu.memory_space<vmem>>, %arg14: memref<200x16xf32, #tpu.memory_space<vmem>>, %arg15: memref<200x16xf32, #tpu.memory_space<vmem>>, %arg16: memref<!tpu.dma_semaphore, #tpu.memory_space<semaphore_mem>>, %arg17: memref<10112x128xf32, #tpu.memory_space<vmem_shared>>) attributes {dimension_semantics = [#tpu.dimension_semantics<core_parallel>, #tpu.dimension_semantics<subcore_parallel>], iteration_bounds = array<i64: 2, 16>, scalar_prefetch = 0 : i64, scratch_operands = 8 : i64, tpu.core_type = #tpu.core_type<sc_vector_subcore>, window_params = [{transform_indices = #map}, {transform_indices = #map}, {transform_indices = #map}, {transform_indices = #map}, {transform_indices = #map1}, {transform_indices = #map1}, {transform_indices = #map}, {transform_indices = #map2}]} {
    %mul3A = arith.constant 16 : i32
    %mul3A_0 = arith.muli %arg0, %mul3A : i32
    %add3A = arith.addi %mul3A_0, %arg1 : i32
    %mul3A_1 = arith.constant 10000 : i32
    %mul3A_2 = arith.muli %add3A, %mul3A_1 : i32
    %mul3A_3 = arith.constant 632 : i32
    %mul3A_4 = arith.muli %arg1, %mul3A_3 : i32
    "tpu.region"() ({
      %run_scoped3A = tpu.sem_alloc : memref<!tpu.dma_semaphore, #tpu.memory_space<semaphore_mem>>
      %dma_start3A = arith.constant 0 : i32
      %dma_start3A_11 = tpu.memref_slice %arg17[%mul3A_4, %dma_start3A] : memref<10112x128xf32, #tpu.memory_space<vmem_shared>> -> memref<632x128xf32, #tpu.memory_space<vmem_shared>>
      %dma_start3A_12 = arith.constant 0 : i32
      %dma_start3A_13 = tpu.memref_slice %arg8[%mul3A_4, %dma_start3A_12] : memref<10112x128xf32, #tpu.memory_space<hbm>> -> memref<632x128xf32, #tpu.memory_space<hbm>>
      tpu.enqueue_dma source(%dma_start3A_13 : memref<632x128xf32, #tpu.memory_space<hbm>>) target(%dma_start3A_11 : memref<632x128xf32, #tpu.memory_space<vmem_shared>>) target_semaphore(%run_scoped3A : memref<!tpu.dma_semaphore, #tpu.memory_space<semaphore_mem>>)
      %dma_wait3A = arith.constant 0 : i32
      %dma_wait3A_14 = tpu.memref_slice %arg17[%mul3A_4, %dma_wait3A] : memref<10112x128xf32, #tpu.memory_space<vmem_shared>> -> memref<632x128xf32, #tpu.memory_space<vmem_shared>>
      %dma_wait3A_15 = arith.constant 0 : i32
      %dma_wait3A_16 = tpu.memref_slice %arg8[%mul3A_4, %dma_wait3A_15] : memref<10112x128xf32, #tpu.memory_space<hbm>> -> memref<632x128xf32, #tpu.memory_space<hbm>>
      tpu.wait_dma2 semaphore(%run_scoped3A : memref<!tpu.dma_semaphore, #tpu.memory_space<semaphore_mem>>) src(%dma_wait3A_16 : memref<632x128xf32, #tpu.memory_space<hbm>>) dst(%dma_wait3A_14 : memref<632x128xf32, #tpu.memory_space<vmem_shared>>)
      tpu.yield
    }) : () -> ()
    %barrier3A = arith.constant 0 : index
    tpu.barrier barrier_id(%barrier3A)
    %scan3A = arith.constant 0 : i32
    %scan3A_5 = arith.constant 0 : i32
    %scan3A_6 = arith.constant 50 : i32
    %scan3A_7 = arith.addi %scan3A_5, %scan3A_6 : i32
    %scan3A_8 = arith.constant 1 : i32
    scf.for %scan3A_11 = %scan3A_5 to %scan3A_7 step %scan3A_8  : i32 {
      %mul3A_12 = arith.constant 200 : i32
      %mul3A_13 = arith.muli %scan3A_11, %mul3A_12 : i32
      %add3A_14 = arith.addi %mul3A_2, %mul3A_13 : i32
      "tpu.region"() ({
        %run_scoped3A = tpu.sem_alloc : memref<!tpu.dma_semaphore, #tpu.memory_space<semaphore_mem>>
        %dma_start3A_37 = tpu.memref_slice %arg6[%add3A_14] : memref<320000xi32, #tpu.memory_space<hbm>> -> memref<200xi32, #tpu.memory_space<hbm>>
        %dma_start3A_38 = tpu.memref_slice %arg6[%add3A_14] : memref<320000xi32, #tpu.memory_space<hbm>> -> memref<200xi32, #tpu.memory_space<hbm>>
        tpu.enqueue_dma source(%dma_start3A_38 : memref<200xi32, #tpu.memory_space<hbm>>) target(%arg10 : memref<200xi32, #tpu.memory_space<vmem>>) target_semaphore(%run_scoped3A : memref<!tpu.dma_semaphore, #tpu.memory_space<semaphore_mem>>)
        %dma_wait3A_39 = tpu.memref_slice %arg6[%add3A_14] : memref<320000xi32, #tpu.memory_space<hbm>> -> memref<200xi32, #tpu.memory_space<hbm>>
        %dma_wait3A_40 = tpu.memref_slice %arg6[%add3A_14] : memref<320000xi32, #tpu.memory_space<hbm>> -> memref<200xi32, #tpu.memory_space<hbm>>
        tpu.wait_dma2 semaphore(%run_scoped3A : memref<!tpu.dma_semaphore, #tpu.memory_space<semaphore_mem>>) src(%dma_wait3A_40 : memref<200xi32, #tpu.memory_space<hbm>>) dst(%arg10 : memref<200xi32, #tpu.memory_space<vmem>>)
        tpu.yield
      }) : () -> ()
      "tpu.region"() ({
        %run_scoped3A = tpu.sem_alloc : memref<!tpu.dma_semaphore, #tpu.memory_space<semaphore_mem>>
        %dma_start3A_37 = tpu.memref_slice %arg7[%add3A_14] : memref<320000xi32, #tpu.memory_space<hbm>> -> memref<200xi32, #tpu.memory_space<hbm>>
        %dma_start3A_38 = tpu.memref_slice %arg7[%add3A_14] : memref<320000xi32, #tpu.memory_space<hbm>> -> memref<200xi32, #tpu.memory_space<hbm>>
        tpu.enqueue_dma source(%dma_start3A_38 : memref<200xi32, #tpu.memory_space<hbm>>) target(%arg11 : memref<200xi32, #tpu.memory_space<vmem>>) target_semaphore(%run_scoped3A : memref<!tpu.dma_semaphore, #tpu.memory_space<semaphore_mem>>)
        %dma_wait3A_39 = tpu.memref_slice %arg7[%add3A_14] : memref<320000xi32, #tpu.memory_space<hbm>> -> memref<200xi32, #tpu.memory_space<hbm>>
        %dma_wait3A_40 = tpu.memref_slice %arg7[%add3A_14] : memref<320000xi32, #tpu.memory_space<hbm>> -> memref<200xi32, #tpu.memory_space<hbm>>
        tpu.wait_dma2 semaphore(%run_scoped3A : memref<!tpu.dma_semaphore, #tpu.memory_space<semaphore_mem>>) src(%dma_wait3A_40 : memref<200xi32, #tpu.memory_space<hbm>>) dst(%arg11 : memref<200xi32, #tpu.memory_space<vmem>>)
        tpu.yield
      }) : () -> ()
      %dma_start3A = arith.constant 0 : i32
      %dma_start3A_15 = arith.constant 0 : i32
      %dma_start3A_16 = tpu.memref_slice %arg2[%dma_start3A, %dma_start3A_15] : memref<10000x128xf32, #tpu.memory_space<hbm>> -> memref<10000x128xf32, #tpu.memory_space<hbm>>
      tpu.enqueue_indirect_dma source(%dma_start3A_16 : memref<10000x128xf32, #tpu.memory_space<hbm>>) target(%arg12 : memref<200x128xf32, #tpu.memory_space<vmem>>) offsets(%arg11 : memref<200xi32, #tpu.memory_space<vmem>>) semaphore(%arg16 : memref<!tpu.dma_semaphore, #tpu.memory_space<semaphore_mem>>)
      %dma_start3A_17 = arith.constant 0 : i32
      %dma_start3A_18 = arith.constant 0 : i32
      %dma_start3A_19 = tpu.memref_slice %arg3[%dma_start3A_17, %dma_start3A_18] : memref<10112x16xf32, #tpu.memory_space<hbm>> -> memref<10112x16xf32, #tpu.memory_space<hbm>>
      tpu.enqueue_indirect_dma source(%dma_start3A_19 : memref<10112x16xf32, #tpu.memory_space<hbm>>) target(%arg14 : memref<200x16xf32, #tpu.memory_space<vmem>>) offsets(%arg10 : memref<200xi32, #tpu.memory_space<vmem>>) semaphore(%arg16 : memref<!tpu.dma_semaphore, #tpu.memory_space<semaphore_mem>>)
      %dma_start3A_20 = arith.constant 0 : i32
      %dma_start3A_21 = arith.constant 0 : i32
      %dma_start3A_22 = tpu.memref_slice %arg4[%dma_start3A_20, %dma_start3A_21] : memref<10112x16xf32, #tpu.memory_space<hbm>> -> memref<10112x16xf32, #tpu.memory_space<hbm>>
      tpu.enqueue_indirect_dma source(%dma_start3A_22 : memref<10112x16xf32, #tpu.memory_space<hbm>>) target(%arg15 : memref<200x16xf32, #tpu.memory_space<vmem>>) offsets(%arg10 : memref<200xi32, #tpu.memory_space<vmem>>) semaphore(%arg16 : memref<!tpu.dma_semaphore, #tpu.memory_space<semaphore_mem>>)
      "tpu.region"() ({
        %run_scoped3A = tpu.sem_alloc : memref<!tpu.dma_semaphore, #tpu.memory_space<semaphore_mem>>
        %dma_start3A_37 = arith.constant 0 : i32
        %dma_start3A_38 = tpu.memref_slice %arg5[%add3A_14, %dma_start3A_37] : memref<320000x16xf32, #tpu.memory_space<hbm>> -> memref<200x16xf32, #tpu.memory_space<hbm>>
        %dma_start3A_39 = arith.constant 0 : i32
        %dma_start3A_40 = tpu.memref_slice %arg5[%add3A_14, %dma_start3A_39] : memref<320000x16xf32, #tpu.memory_space<hbm>> -> memref<200x16xf32, #tpu.memory_space<hbm>>
        tpu.enqueue_dma source(%dma_start3A_40 : memref<200x16xf32, #tpu.memory_space<hbm>>) target(%arg13 : memref<200x16xf32, #tpu.memory_space<vmem>>) target_semaphore(%run_scoped3A : memref<!tpu.dma_semaphore, #tpu.memory_space<semaphore_mem>>)
        %dma_wait3A_41 = arith.constant 0 : i32
        %dma_wait3A_42 = tpu.memref_slice %arg5[%add3A_14, %dma_wait3A_41] : memref<320000x16xf32, #tpu.memory_space<hbm>> -> memref<200x16xf32, #tpu.memory_space<hbm>>
        %dma_wait3A_43 = arith.constant 0 : i32
        %dma_wait3A_44 = tpu.memref_slice %arg5[%add3A_14, %dma_wait3A_43] : memref<320000x16xf32, #tpu.memory_space<hbm>> -> memref<200x16xf32, #tpu.memory_space<hbm>>
        tpu.wait_dma2 semaphore(%run_scoped3A : memref<!tpu.dma_semaphore, #tpu.memory_space<semaphore_mem>>) src(%dma_wait3A_44 : memref<200x16xf32, #tpu.memory_space<hbm>>) dst(%arg13 : memref<200x16xf32, #tpu.memory_space<vmem>>)
        tpu.yield
      }) : () -> ()
      %dma_wait3A = arith.constant 0 : i32
      %dma_wait3A_23 = arith.constant 0 : i32
      %dma_wait3A_24 = tpu.memref_slice %arg2[%dma_wait3A, %dma_wait3A_23] : memref<10000x128xf32, #tpu.memory_space<hbm>> -> memref<10000x128xf32, #tpu.memory_space<hbm>>
      tpu.wait_indirect_dma semaphore(%arg16 : memref<!tpu.dma_semaphore, #tpu.memory_space<semaphore_mem>>) src(%dma_wait3A_24 : memref<10000x128xf32, #tpu.memory_space<hbm>>) dst(%arg12 : memref<200x128xf32, #tpu.memory_space<vmem>>)
      %dma_wait3A_25 = arith.constant 0 : i32
      %dma_wait3A_26 = arith.constant 0 : i32
      %dma_wait3A_27 = tpu.memref_slice %arg3[%dma_wait3A_25, %dma_wait3A_26] : memref<10112x16xf32, #tpu.memory_space<hbm>> -> memref<10112x16xf32, #tpu.memory_space<hbm>>
      tpu.wait_indirect_dma semaphore(%arg16 : memref<!tpu.dma_semaphore, #tpu.memory_space<semaphore_mem>>) src(%dma_wait3A_27 : memref<10112x16xf32, #tpu.memory_space<hbm>>) dst(%arg14 : memref<200x16xf32, #tpu.memory_space<vmem>>)
      %dma_wait3A_28 = arith.constant 0 : i32
      %dma_wait3A_29 = arith.constant 0 : i32
      %dma_wait3A_30 = tpu.memref_slice %arg4[%dma_wait3A_28, %dma_wait3A_29] : memref<10112x16xf32, #tpu.memory_space<hbm>> -> memref<10112x16xf32, #tpu.memory_space<hbm>>
      tpu.wait_indirect_dma semaphore(%arg16 : memref<!tpu.dma_semaphore, #tpu.memory_space<semaphore_mem>>) src(%dma_wait3A_30 : memref<10112x16xf32, #tpu.memory_space<hbm>>) dst(%arg15 : memref<200x16xf32, #tpu.memory_space<vmem>>)
      %scan3A_31 = arith.constant 0 : i32
      %scan3A_32 = arith.constant 0 : i32
      %scan3A_33 = arith.constant 200 : i32
      %scan3A_34 = arith.addi %scan3A_32, %scan3A_33 : i32
      %scan3A_35 = arith.constant 1 : i32
      scf.for %scan3A_37 = %scan3A_32 to %scan3A_34 step %scan3A_35  : i32 {
        %get3A = arith.index_cast %scan3A_37 : i32 to index
        %get3A_38 = arith.constant 0 : index
        %get3A_39 = tpu.vector_load %arg13[%get3A, %get3A_38] {strides = array<i32>} : memref<200x16xf32, #tpu.memory_space<vmem>>, vector<16xf32>,
        %get3A_40 = arith.index_cast %scan3A_37 : i32 to index
        %get3A_41 = arith.constant 0 : index
        %get3A_42 = tpu.vector_load %arg14[%get3A_40, %get3A_41] {strides = array<i32>} : memref<200x16xf32, #tpu.memory_space<vmem>>, vector<16xf32>,
        %get3A_43 = arith.index_cast %scan3A_37 : i32 to index
        %get3A_44 = arith.constant 0 : index
        %get3A_45 = tpu.vector_load %arg15[%get3A_43, %get3A_44] {strides = array<i32>} : memref<200x16xf32, #tpu.memory_space<vmem>>, vector<16xf32>,
        %add3A_46 = arith.addf %get3A_42, %get3A_45 : vector<16xf32>
        %add3A_47 = arith.constant 9.99999996E-13 : f32
        %add3A_48 = vector.broadcast %add3A_47 : f32 to vector<16xf32>
        %add3A_49 = arith.addf %add3A_46, %add3A_48 : vector<16xf32>
        %div3A = arith.divf %get3A_39, %add3A_49 : vector<16xf32>
        %get3A_50 = arith.index_cast %scan3A_37 : i32 to index
        %get3A_51 = arith.constant 0 : index
        %get3A_52 = tpu.vector_load %arg12[%get3A_50, %get3A_51] {strides = array<i32>} : memref<200x128xf32, #tpu.memory_space<vmem>>, vector<16xf32>,
        %mul3A_53 = arith.mulf %get3A_52, %div3A : vector<16xf32>
        %swap3A = arith.index_cast %scan3A_37 : i32 to index
        %swap3A_54 = arith.constant 0 : index
        %swap3A_55 = tpu.vector_load %arg12[%swap3A, %swap3A_54] {strides = array<i32>} : memref<200x128xf32, #tpu.memory_space<vmem>>, vector<16xf32>,
        tpu.vector_store %arg12[%swap3A, %swap3A_54], %mul3A_53 {strides = array<i32>} : memref<200x128xf32, #tpu.memory_space<vmem>>, vector<16xf32>,
        %get3A_56 = arith.index_cast %scan3A_37 : i32 to index
        %get3A_57 = arith.constant 16 : index
        %get3A_58 = tpu.vector_load %arg12[%get3A_56, %get3A_57] {strides = array<i32>} : memref<200x128xf32, #tpu.memory_space<vmem>>, vector<16xf32>,
        %mul3A_59 = arith.mulf %get3A_58, %div3A : vector<16xf32>
        %swap3A_60 = arith.index_cast %scan3A_37 : i32 to index
        %swap3A_61 = arith.constant 16 : index
        %swap3A_62 = tpu.vector_load %arg12[%swap3A_60, %swap3A_61] {strides = array<i32>} : memref<200x128xf32, #tpu.memory_space<vmem>>, vector<16xf32>,
        tpu.vector_store %arg12[%swap3A_60, %swap3A_61], %mul3A_59 {strides = array<i32>} : memref<200x128xf32, #tpu.memory_space<vmem>>, vector<16xf32>,
        %get3A_63 = arith.index_cast %scan3A_37 : i32 to index
        %get3A_64 = arith.constant 32 : index
        %get3A_65 = tpu.vector_load %arg12[%get3A_63, %get3A_64] {strides = array<i32>} : memref<200x128xf32, #tpu.memory_space<vmem>>, vector<16xf32>,
        %mul3A_66 = arith.mulf %get3A_65, %div3A : vector<16xf32>
        %swap3A_67 = arith.index_cast %scan3A_37 : i32 to index
        %swap3A_68 = arith.constant 32 : index
        %swap3A_69 = tpu.vector_load %arg12[%swap3A_67, %swap3A_68] {strides = array<i32>} : memref<200x128xf32, #tpu.memory_space<vmem>>, vector<16xf32>,
        tpu.vector_store %arg12[%swap3A_67, %swap3A_68], %mul3A_66 {strides = array<i32>} : memref<200x128xf32, #tpu.memory_space<vmem>>, vector<16xf32>,
        %get3A_70 = arith.index_cast %scan3A_37 : i32 to index
        %get3A_71 = arith.constant 48 : index
        %get3A_72 = tpu.vector_load %arg12[%get3A_70, %get3A_71] {strides = array<i32>} : memref<200x128xf32, #tpu.memory_space<vmem>>, vector<16xf32>,
        %mul3A_73 = arith.mulf %get3A_72, %div3A : vector<16xf32>
        %swap3A_74 = arith.index_cast %scan3A_37 : i32 to index
        %swap3A_75 = arith.constant 48 : index
        %swap3A_76 = tpu.vector_load %arg12[%swap3A_74, %swap3A_75] {strides = array<i32>} : memref<200x128xf32, #tpu.memory_space<vmem>>, vector<16xf32>,
        tpu.vector_store %arg12[%swap3A_74, %swap3A_75], %mul3A_73 {strides = array<i32>} : memref<200x128xf32, #tpu.memory_space<vmem>>, vector<16xf32>,
        %get3A_77 = arith.index_cast %scan3A_37 : i32 to index
        %get3A_78 = arith.constant 64 : index
        %get3A_79 = tpu.vector_load %arg12[%get3A_77, %get3A_78] {strides = array<i32>} : memref<200x128xf32, #tpu.memory_space<vmem>>, vector<16xf32>,
        %mul3A_80 = arith.mulf %get3A_79, %div3A : vector<16xf32>
        %swap3A_81 = arith.index_cast %scan3A_37 : i32 to index
        %swap3A_82 = arith.constant 64 : index
        %swap3A_83 = tpu.vector_load %arg12[%swap3A_81, %swap3A_82] {strides = array<i32>} : memref<200x128xf32, #tpu.memory_space<vmem>>, vector<16xf32>,
        tpu.vector_store %arg12[%swap3A_81, %swap3A_82], %mul3A_80 {strides = array<i32>} : memref<200x128xf32, #tpu.memory_space<vmem>>, vector<16xf32>,
        %get3A_84 = arith.index_cast %scan3A_37 : i32 to index
        %get3A_85 = arith.constant 80 : index
        %get3A_86 = tpu.vector_load %arg12[%get3A_84, %get3A_85] {strides = array<i32>} : memref<200x128xf32, #tpu.memory_space<vmem>>, vector<16xf32>,
        %mul3A_87 = arith.mulf %get3A_86, %div3A : vector<16xf32>
        %swap3A_88 = arith.index_cast %scan3A_37 : i32 to index
        %swap3A_89 = arith.constant 80 : index
        %swap3A_90 = tpu.vector_load %arg12[%swap3A_88, %swap3A_89] {strides = array<i32>} : memref<200x128xf32, #tpu.memory_space<vmem>>, vector<16xf32>,
        tpu.vector_store %arg12[%swap3A_88, %swap3A_89], %mul3A_87 {strides = array<i32>} : memref<200x128xf32, #tpu.memory_space<vmem>>, vector<16xf32>,
        %get3A_91 = arith.index_cast %scan3A_37 : i32 to index
        %get3A_92 = arith.constant 96 : index
        %get3A_93 = tpu.vector_load %arg12[%get3A_91, %get3A_92] {strides = array<i32>} : memref<200x128xf32, #tpu.memory_space<vmem>>, vector<16xf32>,
        %mul3A_94 = arith.mulf %get3A_93, %div3A : vector<16xf32>
        %swap3A_95 = arith.index_cast %scan3A_37 : i32 to index
        %swap3A_96 = arith.constant 96 : index
        %swap3A_97 = tpu.vector_load %arg12[%swap3A_95, %swap3A_96] {strides = array<i32>} : memref<200x128xf32, #tpu.memory_space<vmem>>, vector<16xf32>,
        tpu.vector_store %arg12[%swap3A_95, %swap3A_96], %mul3A_94 {strides = array<i32>} : memref<200x128xf32, #tpu.memory_space<vmem>>, vector<16xf32>,
        %get3A_98 = arith.index_cast %scan3A_37 : i32 to index
        %get3A_99 = arith.constant 112 : index
        %get3A_100 = tpu.vector_load %arg12[%get3A_98, %get3A_99] {strides = array<i32>} : memref<200x128xf32, #tpu.memory_space<vmem>>, vector<16xf32>,
        %mul3A_101 = arith.mulf %get3A_100, %div3A : vector<16xf32>
        %swap3A_102 = arith.index_cast %scan3A_37 : i32 to index
        %swap3A_103 = arith.constant 112 : index
        %swap3A_104 = tpu.vector_load %arg12[%swap3A_102, %swap3A_103] {strides = array<i32>} : memref<200x128xf32, #tpu.memory_space<vmem>>, vector<16xf32>,
        tpu.vector_store %arg12[%swap3A_102, %swap3A_103], %mul3A_101 {strides = array<i32>} : memref<200x128xf32, #tpu.memory_space<vmem>>, vector<16xf32>,
      }
      %scan3A_36 = arith.constant 200 : i32
      "tpu.region"() ({
        %run_scoped3A = tpu.sem_alloc : memref<!tpu.dma_semaphore, #tpu.memory_space<semaphore_mem>>
        %dma_start3A_37 = arith.constant 0 : i32
        %dma_start3A_38 = arith.constant 0 : i32
        %dma_start3A_39 = tpu.memref_slice %arg17[%dma_start3A_37, %dma_start3A_38] : memref<10112x128xf32, #tpu.memory_space<vmem_shared>> -> memref<10112x128xf32, #tpu.memory_space<vmem_shared>>
        tpu.enqueue_indirect_dma source(%arg12 : memref<200x128xf32, #tpu.memory_space<vmem>>) target(%dma_start3A_39 : memref<10112x128xf32, #tpu.memory_space<vmem_shared>>) offsets(%arg10 : memref<200xi32, #tpu.memory_space<vmem>>) semaphore(%run_scoped3A : memref<!tpu.dma_semaphore, #tpu.memory_space<semaphore_mem>>) {add = true}
        %dma_wait3A_40 = arith.constant 0 : i32
        %dma_wait3A_41 = arith.constant 0 : i32
        %dma_wait3A_42 = tpu.memref_slice %arg17[%dma_wait3A_40, %dma_wait3A_41] : memref<10112x128xf32, #tpu.memory_space<vmem_shared>> -> memref<10112x128xf32, #tpu.memory_space<vmem_shared>>
        tpu.wait_indirect_dma semaphore(%run_scoped3A : memref<!tpu.dma_semaphore, #tpu.memory_space<semaphore_mem>>) src(%arg12 : memref<200x128xf32, #tpu.memory_space<vmem>>) dst(%dma_wait3A_42 : memref<10112x128xf32, #tpu.memory_space<vmem_shared>>)
        tpu.yield
      }) : () -> ()
    }
    %scan3A_9 = arith.constant 50 : i32
    %barrier3A_10 = arith.constant 0 : index
    tpu.barrier barrier_id(%barrier3A_10)
    "tpu.region"() ({
      %run_scoped3A = tpu.sem_alloc : memref<!tpu.dma_semaphore, #tpu.memory_space<semaphore_mem>>
      %dma_start3A = arith.constant 0 : i32
      %dma_start3A_11 = tpu.memref_slice %arg9[%arg0, %mul3A_4, %dma_start3A] : memref<2x10112x128xf32, #tpu.memory_space<hbm>> -> memref<1x632x128xf32, #tpu.memory_space<hbm>>
      %dma_start3A_12 = tpu.memref_squeeze %dma_start3A_11 : memref<1x632x128xf32, #tpu.memory_space<hbm>> -> memref<632x128xf32, #tpu.memory_space<hbm>>
      %dma_start3A_13 = arith.constant 0 : i32
      %dma_start3A_14 = tpu.memref_slice %arg17[%mul3A_4, %dma_start3A_13] : memref<10112x128xf32, #tpu.memory_space<vmem_shared>> -> memref<632x128xf32, #tpu.memory_space<vmem_shared>>
      tpu.enqueue_dma source(%dma_start3A_14 : memref<632x128xf32, #tpu.memory_space<vmem_shared>>) target(%dma_start3A_12 : memref<632x128xf32, #tpu.memory_space<hbm>>) target_semaphore(%run_scoped3A : memref<!tpu.dma_semaphore, #tpu.memory_space<semaphore_mem>>)
      %dma_wait3A = arith.constant 0 : i32
      %dma_wait3A_15 = tpu.memref_slice %arg9[%arg0, %mul3A_4, %dma_wait3A] : memref<2x10112x128xf32, #tpu.memory_space<hbm>> -> memref<1x632x128xf32, #tpu.memory_space<hbm>>
      %dma_wait3A_16 = tpu.memref_squeeze %dma_wait3A_15 : memref<1x632x128xf32, #tpu.memory_space<hbm>> -> memref<632x128xf32, #tpu.memory_space<hbm>>
      %dma_wait3A_17 = arith.constant 0 : i32
      %dma_wait3A_18 = tpu.memref_slice %arg17[%mul3A_4, %dma_wait3A_17] : memref<10112x128xf32, #tpu.memory_space<vmem_shared>> -> memref<632x128xf32, #tpu.memory_space<vmem_shared>>
      tpu.wait_dma2 semaphore(%run_scoped3A : memref<!tpu.dma_semaphore, #tpu.memory_space<semaphore_mem>>) src(%dma_wait3A_18 : memref<632x128xf32, #tpu.memory_space<vmem_shared>>) dst(%dma_wait3A_16 : memref<632x128xf32, #tpu.memory_space<hbm>>)
      tpu.yield
    }) : () -> ()
    return
  }
}

module attributes {stable_mosaic.version = 14 : i64} {
  func.func @_t1_body(%arg0: i32, %arg1: memref<1000x128xf32, #tpu.memory_space<vmem>>, %arg2: memref<128x128xf32, #tpu.memory_space<vmem>>, %arg3: memref<128x128xf32, #tpu.memory_space<vmem>>, %arg4: memref<128x16xf32, #tpu.memory_space<vmem>>, %arg5: memref<1x128xf32, #tpu.memory_space<vmem>>, %arg6: memref<128x128xf32, #tpu.memory_space<vmem>>, %arg7: memref<1000x16xf32, #tpu.memory_space<vmem>>, %arg8: memref<1000x16xf32, #tpu.memory_space<vmem>>, %arg9: memref<1000x128xf32, #tpu.memory_space<vmem>>, %arg10: memref<1x16xf32, #tpu.memory_space<vmem>>) attributes {dimension_semantics = [#tpu.dimension_semantics<arbitrary>], iteration_bounds = array<i64: 10>, scalar_prefetch = 0 : i64, scratch_operands = 0 : i64, tpu.core_type = #tpu.core_type<tc>, window_params = [{transform_indices = @transform_0, window_bounds = array<i64: 1000, 128>}, {pipeline_mode = #tpu.pipeline_mode<synchronous>, transform_indices = @transform_1, window_bounds = array<i64: 128, 128>}, {pipeline_mode = #tpu.pipeline_mode<synchronous>, transform_indices = @transform_2, window_bounds = array<i64: 128, 128>}, {pipeline_mode = #tpu.pipeline_mode<synchronous>, transform_indices = @transform_3, window_bounds = array<i64: 128, 16>}, {pipeline_mode = #tpu.pipeline_mode<synchronous>, transform_indices = @transform_4, window_bounds = array<i64: 1, 128>}, {pipeline_mode = #tpu.pipeline_mode<synchronous>, transform_indices = @transform_5, window_bounds = array<i64: 128, 128>}, {transform_indices = @transform_6, window_bounds = array<i64: 1000, 16>}, {transform_indices = @transform_7, window_bounds = array<i64: 1000, 16>}, {transform_indices = @transform_8, window_bounds = array<i64: 1000, 128>}, {pipeline_mode = #tpu.pipeline_mode<synchronous>, transform_indices = @transform_9, window_bounds = array<i64: 1, 16>}]} {
    %get3A = arith.constant 0 : index
    %get3A_0 = arith.constant 0 : index
    %get3A_1 = vector.load %arg1[%get3A, %get3A_0] : memref<1000x128xf32, #tpu.memory_space<vmem>>, vector<1000x128xf32>
    %get3A_2 = arith.constant 0 : index
    %get3A_3 = arith.constant 0 : index
    %get3A_4 = vector.load %arg2[%get3A_2, %get3A_3] : memref<128x128xf32, #tpu.memory_space<vmem>>, vector<128x128xf32>
    %get3A_5 = arith.constant 0 : index
    %get3A_6 = arith.constant 0 : index
    %get3A_7 = vector.load %arg4[%get3A_5, %get3A_6] : memref<128x16xf32, #tpu.memory_space<vmem>>, vector<128x16xf32>
    %dot_general3A = arith.constant dense<0.000000e+00> : vector<128x16xf32>
    %dot_general3A_8 = tpu.matmul %get3A_4, %get3A_7, %dot_general3A {dimension_numbers = #tpu.dot_dimension_numbers<[1], [0], [0], [1], [0, 0, 1, 1], [], []>, transpose_lhs_hint = false} : vector<128x128xf32>, vector<128x16xf32>, vector<128x16xf32> -> vector<128x16xf32>
    %get3A_9 = arith.constant 0 : index
    %get3A_10 = arith.constant 0 : index
    %get3A_11 = vector.load %arg3[%get3A_9, %get3A_10] : memref<128x128xf32, #tpu.memory_space<vmem>>, vector<128x128xf32>
    %get3A_12 = arith.constant 0 : index
    %get3A_13 = arith.constant 0 : index
    %get3A_14 = vector.load %arg4[%get3A_12, %get3A_13] : memref<128x16xf32, #tpu.memory_space<vmem>>, vector<128x16xf32>
    %dot_general3A_15 = arith.constant dense<0.000000e+00> : vector<128x16xf32>
    %dot_general3A_16 = tpu.matmul %get3A_11, %get3A_14, %dot_general3A_15 {dimension_numbers = #tpu.dot_dimension_numbers<[1], [0], [0], [1], [0, 0, 1, 1], [], []>, transpose_lhs_hint = false} : vector<128x128xf32>, vector<128x16xf32>, vector<128x16xf32> -> vector<128x16xf32>
    %dot_general3A_17 = arith.constant dense<0.000000e+00> : vector<1000x16xf32>
    %dot_general3A_18 = tpu.matmul %get3A_1, %dot_general3A_8, %dot_general3A_17 {dimension_numbers = #tpu.dot_dimension_numbers<[1], [0], [0], [1], [0, 0, 1, 1], [], []>, transpose_lhs_hint = false} : vector<1000x128xf32>, vector<128x16xf32>, vector<1000x16xf32> -> vector<1000x16xf32>
    %swap3A = arith.constant 0 : index
    %swap3A_19 = arith.constant 0 : index
    %swap3A_20 = vector.load %arg7[%swap3A, %swap3A_19] : memref<1000x16xf32, #tpu.memory_space<vmem>>, vector<1000x16xf32>
    tpu.vector_store %arg7[%swap3A, %swap3A_19], %dot_general3A_18 {strides = array<i32>} : memref<1000x16xf32, #tpu.memory_space<vmem>>, vector<1000x16xf32>,
    %dot_general3A_21 = arith.constant dense<0.000000e+00> : vector<1000x16xf32>
    %dot_general3A_22 = tpu.matmul %get3A_1, %dot_general3A_16, %dot_general3A_21 {dimension_numbers = #tpu.dot_dimension_numbers<[1], [0], [0], [1], [0, 0, 1, 1], [], []>, transpose_lhs_hint = false} : vector<1000x128xf32>, vector<128x16xf32>, vector<1000x16xf32> -> vector<1000x16xf32>
    %swap3A_23 = arith.constant 0 : index
    %swap3A_24 = arith.constant 0 : index
    %swap3A_25 = vector.load %arg8[%swap3A_23, %swap3A_24] : memref<1000x16xf32, #tpu.memory_space<vmem>>, vector<1000x16xf32>
    tpu.vector_store %arg8[%swap3A_23, %swap3A_24], %dot_general3A_22 {strides = array<i32>} : memref<1000x16xf32, #tpu.memory_space<vmem>>, vector<1000x16xf32>,
    %get3A_26 = arith.constant 0 : index
    %get3A_27 = arith.constant 0 : index
    %get3A_28 = vector.load %arg6[%get3A_26, %get3A_27] : memref<128x128xf32, #tpu.memory_space<vmem>>, vector<128x128xf32>
    %dot_general3A_29 = arith.constant dense<0.000000e+00> : vector<1000x128xf32>
    %dot_general3A_30 = tpu.matmul %get3A_1, %get3A_28, %dot_general3A_29 {dimension_numbers = #tpu.dot_dimension_numbers<[1], [0], [0], [1], [0, 0, 1, 1], [], []>, transpose_lhs_hint = false} : vector<1000x128xf32>, vector<128x128xf32>, vector<1000x128xf32> -> vector<1000x128xf32>
    %swap3A_31 = arith.constant 0 : index
    %swap3A_32 = arith.constant 0 : index
    %swap3A_33 = vector.load %arg9[%swap3A_31, %swap3A_32] : memref<1000x128xf32, #tpu.memory_space<vmem>>, vector<1000x128xf32>
    tpu.vector_store %arg9[%swap3A_31, %swap3A_32], %dot_general3A_30 {strides = array<i32>} : memref<1000x128xf32, #tpu.memory_space<vmem>>, vector<1000x128xf32>,
    %get3A_34 = arith.constant 0 : index
    %get3A_35 = arith.constant 0 : index
    %get3A_36 = vector.load %arg5[%get3A_34, %get3A_35] : memref<1x128xf32, #tpu.memory_space<vmem>>, vector<1x128xf32>
    %get3A_37 = arith.constant 0 : index
    %get3A_38 = arith.constant 0 : index
    %get3A_39 = vector.load %arg4[%get3A_37, %get3A_38] : memref<128x16xf32, #tpu.memory_space<vmem>>, vector<128x16xf32>
    %dot_general3A_40 = arith.constant dense<0.000000e+00> : vector<1x16xf32>
    %dot_general3A_41 = tpu.matmul %get3A_36, %get3A_39, %dot_general3A_40 {dimension_numbers = #tpu.dot_dimension_numbers<[1], [0], [0], [1], [0, 0, 1, 1], [], []>, transpose_lhs_hint = false} : vector<1x128xf32>, vector<128x16xf32>, vector<1x16xf32> -> vector<1x16xf32>
    %swap3A_42 = arith.constant 0 : index
    %swap3A_43 = arith.constant 0 : index
    %swap3A_44 = vector.load %arg10[%swap3A_42, %swap3A_43] : memref<1x16xf32, #tpu.memory_space<vmem>>, vector<1x16xf32>
    tpu.vector_store %arg10[%swap3A_42, %swap3A_43], %dot_general3A_41 {strides = array<i32>} : memref<1x16xf32, #tpu.memory_space<vmem>>, vector<1x16xf32>,
    return
  }
  func.func @transform_0(%arg0: i32) -> (i32, i32) {
    %c0_i32 = arith.constant 0 : i32
    %c0_i32_0 = arith.constant 0 : i32
    return %arg0, %c0_i32 : i32, i32
  }
  func.func @transform_1(%arg0: i32) -> (i32, i32) {
    %c0_i32 = arith.constant 0 : i32
    %c0_i32_0 = arith.constant 0 : i32
    %c0_i32_1 = arith.constant 0 : i32
    return %c0_i32, %c0_i32_0 : i32, i32
  }
  func.func @transform_2(%arg0: i32) -> (i32, i32) {
    %c0_i32 = arith.constant 0 : i32
    %c0_i32_0 = arith.constant 0 : i32
    %c0_i32_1 = arith.constant 0 : i32
    return %c0_i32, %c0_i32_0 : i32, i32
  }
  func.func @transform_3(%arg0: i32) -> (i32, i32) {
    %c0_i32 = arith.constant 0 : i32
    %c0_i32_0 = arith.constant 0 : i32
    %c0_i32_1 = arith.constant 0 : i32
    return %c0_i32, %c0_i32_0 : i32, i32
  }
  func.func @transform_4(%arg0: i32) -> (i32, i32) {
    %c0_i32 = arith.constant 0 : i32
    %c0_i32_0 = arith.constant 0 : i32
    %c0_i32_1 = arith.constant 0 : i32
    return %c0_i32, %c0_i32_0 : i32, i32
  }
  func.func @transform_5(%arg0: i32) -> (i32, i32) {
    %c0_i32 = arith.constant 0 : i32
    %c0_i32_0 = arith.constant 0 : i32
    %c0_i32_1 = arith.constant 0 : i32
    return %c0_i32, %c0_i32_0 : i32, i32
  }
  func.func @transform_6(%arg0: i32) -> (i32, i32) {
    %c0_i32 = arith.constant 0 : i32
    %c0_i32_0 = arith.constant 0 : i32
    return %arg0, %c0_i32 : i32, i32
  }
  func.func @transform_7(%arg0: i32) -> (i32, i32) {
    %c0_i32 = arith.constant 0 : i32
    %c0_i32_0 = arith.constant 0 : i32
    return %arg0, %c0_i32 : i32, i32
  }
  func.func @transform_8(%arg0: i32) -> (i32, i32) {
    %c0_i32 = arith.constant 0 : i32
    %c0_i32_0 = arith.constant 0 : i32
    return %arg0, %c0_i32 : i32, i32
  }
  func.func @transform_9(%arg0: i32) -> (i32, i32) {
    %c0_i32 = arith.constant 0 : i32
    %c0_i32_0 = arith.constant 0 : i32
    %c0_i32_1 = arith.constant 0 : i32
    return %c0_i32, %c0_i32_0 : i32, i32
  }
}

module attributes {stable_mosaic.version = 14 : i64} {
  func.func @_t2_body(%arg0: i32, %arg1: memref<2x1000x128xf32, #tpu.memory_space<vmem>>, %arg2: memref<1000x128xf32, #tpu.memory_space<vmem>>, %arg3: memref<128x128xf32, #tpu.memory_space<vmem>>, %arg4: memref<128x128xf32, #tpu.memory_space<vmem>>, %arg5: memref<1x128xf32, #tpu.memory_space<vmem>>, %arg6: memref<1x128xf32, #tpu.memory_space<vmem>>, %arg7: memref<1x128xf32, #tpu.memory_space<vmem>>, %arg8: memref<1x128xf32, #tpu.memory_space<vmem>>, %arg9: memref<1000x128xf32, #tpu.memory_space<vmem>>) attributes {dimension_semantics = [#tpu.dimension_semantics<arbitrary>], iteration_bounds = array<i64: 10>, scalar_prefetch = 0 : i64, scratch_operands = 0 : i64, tpu.core_type = #tpu.core_type<tc>, window_params = [{transform_indices = @transform_0, window_bounds = array<i64: 2, 1000, 128>}, {transform_indices = @transform_1, window_bounds = array<i64: 1000, 128>}, {pipeline_mode = #tpu.pipeline_mode<synchronous>, transform_indices = @transform_2, window_bounds = array<i64: 128, 128>}, {pipeline_mode = #tpu.pipeline_mode<synchronous>, transform_indices = @transform_3, window_bounds = array<i64: 128, 128>}, {pipeline_mode = #tpu.pipeline_mode<synchronous>, transform_indices = @transform_4, window_bounds = array<i64: 1, 128>}, {pipeline_mode = #tpu.pipeline_mode<synchronous>, transform_indices = @transform_5, window_bounds = array<i64: 1, 128>}, {pipeline_mode = #tpu.pipeline_mode<synchronous>, transform_indices = @transform_6, window_bounds = array<i64: 1, 128>}, {pipeline_mode = #tpu.pipeline_mode<synchronous>, transform_indices = @transform_7, window_bounds = array<i64: 1, 128>}, {transform_indices = @transform_8, window_bounds = array<i64: 1000, 128>}]} {
    %get3A = arith.constant 0 : index
    %get3A_0 = arith.constant 0 : index
    %get3A_1 = arith.constant 0 : index
    %get3A_2 = vector.load %arg1[%get3A, %get3A_0, %get3A_1] : memref<2x1000x128xf32, #tpu.memory_space<vmem>>, vector<1x1000x128xf32>
    %get3A_3 = vector.shape_cast %get3A_2 : vector<1x1000x128xf32> to vector<1000x128xf32>
    %get3A_4 = arith.constant 1 : index
    %get3A_5 = arith.constant 0 : index
    %get3A_6 = arith.constant 0 : index
    %get3A_7 = vector.load %arg1[%get3A_4, %get3A_5, %get3A_6] : memref<2x1000x128xf32, #tpu.memory_space<vmem>>, vector<1x1000x128xf32>
    %get3A_8 = vector.shape_cast %get3A_7 : vector<1x1000x128xf32> to vector<1000x128xf32>
    %add3A = arith.addf %get3A_3, %get3A_8 : vector<1000x128xf32>
    %get3A_9 = arith.constant 0 : index
    %get3A_10 = arith.constant 0 : index
    %get3A_11 = vector.load %arg3[%get3A_9, %get3A_10] : memref<128x128xf32, #tpu.memory_space<vmem>>, vector<128x128xf32>
    %dot_general3A = arith.constant dense<0.000000e+00> : vector<1000x128xf32>
    %dot_general3A_12 = tpu.matmul %add3A, %get3A_11, %dot_general3A {dimension_numbers = #tpu.dot_dimension_numbers<[1], [0], [0], [1], [0, 0, 1, 1], [], []>, transpose_lhs_hint = false} : vector<1000x128xf32>, vector<128x128xf32>, vector<1000x128xf32> -> vector<1000x128xf32>
    %get3A_13 = arith.constant 0 : index
    %get3A_14 = arith.constant 0 : index
    %get3A_15 = vector.load %arg2[%get3A_13, %get3A_14] : memref<1000x128xf32, #tpu.memory_space<vmem>>, vector<1000x128xf32>
    %get3A_16 = arith.constant 0 : index
    %get3A_17 = arith.constant 0 : index
    %get3A_18 = vector.load %arg4[%get3A_16, %get3A_17] : memref<128x128xf32, #tpu.memory_space<vmem>>, vector<128x128xf32>
    %dot_general3A_19 = arith.constant dense<0.000000e+00> : vector<1000x128xf32>
    %dot_general3A_20 = tpu.matmul %get3A_15, %get3A_18, %dot_general3A_19 {dimension_numbers = #tpu.dot_dimension_numbers<[1], [0], [0], [1], [0, 0, 1, 1], [], []>, transpose_lhs_hint = false} : vector<1000x128xf32>, vector<128x128xf32>, vector<1000x128xf32> -> vector<1000x128xf32>
    %add3A_21 = arith.addf %dot_general3A_12, %dot_general3A_20 : vector<1000x128xf32>
    %get3A_22 = arith.constant 0 : index
    %get3A_23 = arith.constant 0 : index
    %get3A_24 = vector.load %arg5[%get3A_22, %get3A_23] : memref<1x128xf32, #tpu.memory_space<vmem>>, vector<1x128xf32>
    %add3A_25 = vector.broadcast %get3A_24 : vector<1x128xf32> to vector<1000x128xf32>
    %add3A_26 = arith.addf %add3A_21, %add3A_25 : vector<1000x128xf32>
    %get3A_27 = arith.constant 0 : index
    %get3A_28 = arith.constant 0 : index
    %get3A_29 = vector.load %arg6[%get3A_27, %get3A_28] : memref<1x128xf32, #tpu.memory_space<vmem>>, vector<1x128xf32>
    %add3A_30 = vector.broadcast %get3A_29 : vector<1x128xf32> to vector<1000x128xf32>
    %add3A_31 = arith.addf %add3A_26, %add3A_30 : vector<1000x128xf32>
    %reduce_sum3A = arith.constant dense<0.000000e+00> : vector<1000xf32>
    %reduce_sum3A_32 = vector.multi_reduction <add>, %add3A_31, %reduce_sum3A [1] : vector<1000x128xf32> to vector<1000xf32>
    %broadcast_in_dim3A = vector.shape_cast %reduce_sum3A_32 : vector<1000xf32> to vector<1000x1xf32>
    %div3A = arith.constant 1.280000e+02 : f32
    %div3A_33 = vector.broadcast %div3A : f32 to vector<1000x1xf32>
    %div3A_34 = arith.divf %broadcast_in_dim3A, %div3A_33 : vector<1000x1xf32>
    %sub3A = vector.broadcast %div3A_34 : vector<1000x1xf32> to vector<1000x128xf32>
    %sub3A_35 = arith.subf %add3A_31, %sub3A : vector<1000x128xf32>
    %mul3A = arith.mulf %sub3A_35, %sub3A_35 : vector<1000x128xf32>
    %reduce_sum3A_36 = arith.constant dense<0.000000e+00> : vector<1000xf32>
    %reduce_sum3A_37 = vector.multi_reduction <add>, %mul3A, %reduce_sum3A_36 [1] : vector<1000x128xf32> to vector<1000xf32>
    %broadcast_in_dim3A_38 = vector.shape_cast %reduce_sum3A_37 : vector<1000xf32> to vector<1000x1xf32>
    %div3A_39 = arith.constant 1.280000e+02 : f32
    %div3A_40 = vector.broadcast %div3A_39 : f32 to vector<1000x1xf32>
    %div3A_41 = arith.divf %broadcast_in_dim3A_38, %div3A_40 : vector<1000x1xf32>
    %get3A_42 = arith.constant 0 : index
    %get3A_43 = arith.constant 0 : index
    %get3A_44 = vector.load %arg7[%get3A_42, %get3A_43] : memref<1x128xf32, #tpu.memory_space<vmem>>, vector<1x128xf32>
    %add3A_45 = arith.constant 9.99999974E-6 : f32
    %add3A_46 = vector.broadcast %add3A_45 : f32 to vector<1000x1xf32>
    %add3A_47 = arith.addf %div3A_41, %add3A_46 : vector<1000x1xf32>
    %rsqrt3A = math.rsqrt %add3A_47 : vector<1000x1xf32>
    %mul3A_48 = vector.broadcast %rsqrt3A : vector<1000x1xf32> to vector<1000x128xf32>
    %mul3A_49 = arith.mulf %sub3A_35, %mul3A_48 : vector<1000x128xf32>
    %mul3A_50 = vector.broadcast %get3A_44 : vector<1x128xf32> to vector<1000x128xf32>
    %mul3A_51 = arith.mulf %mul3A_50, %mul3A_49 : vector<1000x128xf32>
    %get3A_52 = arith.constant 0 : index
    %get3A_53 = arith.constant 0 : index
    %get3A_54 = vector.load %arg8[%get3A_52, %get3A_53] : memref<1x128xf32, #tpu.memory_space<vmem>>, vector<1x128xf32>
    %add3A_55 = vector.broadcast %get3A_54 : vector<1x128xf32> to vector<1000x128xf32>
    %add3A_56 = arith.addf %mul3A_51, %add3A_55 : vector<1000x128xf32>
    %swap3A = arith.constant 0 : index
    %swap3A_57 = arith.constant 0 : index
    %swap3A_58 = vector.load %arg9[%swap3A, %swap3A_57] : memref<1000x128xf32, #tpu.memory_space<vmem>>, vector<1000x128xf32>
    tpu.vector_store %arg9[%swap3A, %swap3A_57], %add3A_56 {strides = array<i32>} : memref<1000x128xf32, #tpu.memory_space<vmem>>, vector<1000x128xf32>,
    return
  }
  func.func @transform_0(%arg0: i32) -> (i32, i32, i32) {
    %c0_i32 = arith.constant 0 : i32
    %c0_i32_0 = arith.constant 0 : i32
    %c0_i32_1 = arith.constant 0 : i32
    return %c0_i32, %arg0, %c0_i32_0 : i32, i32, i32
  }
  func.func @transform_1(%arg0: i32) -> (i32, i32) {
    %c0_i32 = arith.constant 0 : i32
    %c0_i32_0 = arith.constant 0 : i32
    return %arg0, %c0_i32 : i32, i32
  }
  func.func @transform_2(%arg0: i32) -> (i32, i32) {
    %c0_i32 = arith.constant 0 : i32
    %c0_i32_0 = arith.constant 0 : i32
    %c0_i32_1 = arith.constant 0 : i32
    return %c0_i32, %c0_i32_0 : i32, i32
  }
  func.func @transform_3(%arg0: i32) -> (i32, i32) {
    %c0_i32 = arith.constant 0 : i32
    %c0_i32_0 = arith.constant 0 : i32
    %c0_i32_1 = arith.constant 0 : i32
    return %c0_i32, %c0_i32_0 : i32, i32
  }
  func.func @transform_4(%arg0: i32) -> (i32, i32) {
    %c0_i32 = arith.constant 0 : i32
    %c0_i32_0 = arith.constant 0 : i32
    %c0_i32_1 = arith.constant 0 : i32
    return %c0_i32, %c0_i32_0 : i32, i32
  }
  func.func @transform_5(%arg0: i32) -> (i32, i32) {
    %c0_i32 = arith.constant 0 : i32
    %c0_i32_0 = arith.constant 0 : i32
    %c0_i32_1 = arith.constant 0 : i32
    return %c0_i32, %c0_i32_0 : i32, i32
  }
  func.func @transform_6(%arg0: i32) -> (i32, i32) {
    %c0_i32 = arith.constant 0 : i32
    %c0_i32_0 = arith.constant 0 : i32
    %c0_i32_1 = arith.constant 0 : i32
    return %c0_i32, %c0_i32_0 : i32, i32
  }
  func.func @transform_7(%arg0: i32) -> (i32, i32) {
    %c0_i32 = arith.constant 0 : i32
    %c0_i32_0 = arith.constant 0 : i32
    %c0_i32_1 = arith.constant 0 : i32
    return %c0_i32, %c0_i32_0 : i32, i32
  }
  func.func @transform_8(%arg0: i32) -> (i32, i32) {
    %c0_i32 = arith.constant 0 : i32
    %c0_i32_0 = arith.constant 0 : i32
    return %arg0, %c0_i32 : i32, i32
  }
}

</mosaic_0001>

<sc_bundles>
// kernel: kernel.6.cloned.1.call-start
scs
__scs_entry_jumppad:
0x0: {  	(pc) =	sbr.rel $0x88, $3  }
0x1: {  	(tag) =	ssettag $0x0;
	lr =	simm.s32 $0x1  }
0x2: {  	[smem:$0x3F92] =	sst lr;
	_ =	strace $0xD0000000  }
0x3: {  	_ = 	snop  }
0x4: {  	_ = 	snop  }
0x5: {  	_ = 	snop  }
0x6: {  	_ = 	snop  }
0x7: {  	_ = 	snop  }
__scs_overlays_trampoline_lowered:
0x8: {  	[smem:$0x3FA1] =	sst s0  }
0x9: {  	[smem:$0x3FA2] =	sst s1  }
0xa: {  	[smem:$0x3FA3] =	sst s2  }
0xb: {  	[smem:$0x3FA4] =	sst s3  }
0xc: {  	[smem:$0x3FA5] =	sst s4  }
0xd: {  	[smem:$0x3FA6] =	sst s5  }
0xe: {  	[smem:$0x3FA7] =	sst s6  }
0xf: {  	[smem:$0x3FA8] =	sst s7  }
0x10: {  	[smem:$0x3FA9] =	sst s8  }
0x11: {  	[smem:$0x3FAA] =	sst s9;
	s0 =	simm.s32 @!p0 $0x0  }
0x12: {  	s1 =	sld [smem:$0x3F90];
	s0 =	simm.s32 @p0 $0x1  }
0x13: {  	[smem:$0x3FAB] =	sst s0;
	s0 =	simm.s32 @!p1 $0x0  }
0x14: {  	s2 =	sld [smem:$0x3F8F];
	s0 =	simm.s32 @p1 $0x1  }
0x15: {  	[smem:$0x3FAC] =	sst s0;
	s0 =	simm.s32 @!p2 $0x0  }
0x16: {  	s3 =	sld [smem:$0x3FDB];
	s0 =	simm.s32 @p2 $0x1  }
0x17: {  	s4 =	simm.s32 $0x1BF5;
	[smem:$0x3FAE] =	sst s0  }
0x18: {  	s0 =	sld [smem:$0x3F91];
	_ =	swait.ge [sflag:s4], $0x0  }
0x19: {  	s7 =	sld [smem:$0x3F92]  }
0x1a: {  	s8 =	sadd.s32 $0xFFFFE003, lr  }
0x1b: {  	s9 =	sadd.s32 $0xFFFFFEF7, lr;
	s5 =	simm.s32 $0xFFFFFFFF;
	p2 =	slt.u32 s8, $0xFFFFF086  }
0x1c: {  	p1 =	slt.u32 s9, $0xF7A;
	s5 =	simm.s32 @!p2 $0x0  }
0x1d: {  	s5 =	simm.s32 @p1 $0x1;
	p0 =	seq.s32 s7, s2  }
0x1e: {  	s7 =	smul.u32 @!p0 $0xF7A, s2;
	p2 =	seq.s32 @!p0 s5, $0x0  }
0x1f: {  	s9 =	smul.u32 $0xF7A, s1;
	s8 =	simm.s32 @!p0 $0x1BF5;
	p2 =	por !p2, p0  }
0x20: {  	[sflag:s8] =	ssyncset.s32 @!p0 $0xFFFFF086;
	s6 =	sadd.s32 @!p0 s3, s7;
	s7 =	simm.s32 @!p0 $0x108  }
0x21: {  	s3 =	sadd.s32 s3, s9;
	s6 =	sadd.s32 @!p0 $0x88, s6;
	s7 =	simm.s32 @p2 $0x1082  }
0x22: {  	[simem:s7], [sflag:s8] =	dma.local @!p0 [hbm:s6], $0xF7A  }
0x23: {  	s9 =	sor.u32 $0xD0000000, s2;
	s6 =	simm.s32 $0x108;
	_ =	swait.ge @!p0 [sflag:s8], $0x0  }
0x24: {  	s3 =	sadd.s32 $0x88, s3;
	s6 =	simm.s32 @!p1 $0x1082;
	[sflag:s4] =	ssyncset.s32 $0xFFFFF086  }
0x25: {  	[simem:s6], [sflag:s4] =	dma.local [hbm:s3], $0xF7A  }
0x26: {  	[smem:$0x3F92] =	sst s1;
	(tag) =	ssettag s2;
	_ =	strace s9  }
0x27: {  	s1 =	sld [smem:$0x3FA2]  }
0x28: {  	s2 =	sld [smem:$0x3FA3]  }
0x29: {  	s4 =	sld [smem:$0x3FA5]  }
0x2a: {  	p0 =	seq.s32 s5, $0x0;
	s5 =	sld [smem:$0x3FA6]  }
0x2b: {  	s6 =	sld [smem:$0x3FA7]  }
0x2c: {  	s7 =	sld [smem:$0x3FA8]  }
0x2d: {  	s3 =	simm.s32 $0x108;
	s8 =	sld [smem:$0x3FA9]  }
0x2e: {  	s3 =	simm.s32 @!p0 $0x1082;
	s9 =	sld [smem:$0x3FAA]  }
0x2f: {  	lr =	sadd.s32 s0, s3;
	s0 =	sld [smem:$0x3FA1]  }
0x30: {  	s3 =	sld [smem:$0x3FA4]  }
0x31: {  	[smem:$0x3FAD] =	sst s10  }
0x32: {  	s10 =	sld [smem:$0x3FAB];
	_ =	sdelay $0x3  }
0x33: {  	p0 =	seq.s32 s10, $0x1;
	s10 =	sld [smem:$0x3FAD];
	_ =	sdelay $0x3  }
0x34: {  	[smem:$0x3FAD] =	sst s10  }
0x35: {  	s10 =	sld [smem:$0x3FAC];
	_ =	sdelay $0x3  }
0x36: {  	p1 =	seq.s32 s10, $0x1;
	s10 =	sld [smem:$0x3FAD];
	_ =	sdelay $0x3  }
0x37: {  	[smem:$0x3FAD] =	sst s10  }
0x38: {  	s10 =	sld [smem:$0x3FAE]  }
0x39: {  	_ = 	snop;
	(pc) =	sbr.ind lr, $3  }
0x3a: {  	_ = 	snop  }
0x3b: {  	_ = 	snop  }
0x3c: {  	p2 =	seq.s32 s10, $0x1;
	s10 =	sld [smem:$0x3FAD]  }
0x3d: {  	_ =	shalt  }
0x3e: {  	_ =	shalt  }
0x3f: {  	_ =	shalt  }
0x40: {  	_ =	shalt  }
0x41: {  	_ =	shalt  }
0x42: {  	_ =	shalt  }
0x43: {  	_ =	shalt  }
0x44: {  	_ =	shalt  }
0x45: {  	_ =	shalt  }
0x46: {  	_ =	shalt  }
0x47: {  	_ =	shalt  }
0x48: {  	_ =	shalt  }
0x49: {  	_ =	shalt  }
0x4a: {  	_ =	shalt  }
0x4b: {  	_ =	shalt  }
0x4c: {  	_ =	shalt  }
0x4d: {  	_ =	shalt  }
0x4e: {  	_ =	shalt  }
0x4f: {  	_ =	shalt  }
0x50: {  	_ =	shalt  }
0x51: {  	_ =	shalt  }
0x52: {  	_ =	shalt  }
0x53: {  	_ =	shalt  }
0x54: {  	_ =	shalt  }
0x55: {  	_ =	shalt  }
0x56: {  	_ =	shalt  }
0x57: {  	_ =	shalt  }
0x58: {  	_ =	shalt  }
0x59: {  	_ =	shalt  }
0x5a: {  	_ =	shalt  }
0x5b: {  	_ =	shalt  }
0x5c: {  	_ =	shalt  }
0x5d: {  	_ =	shalt  }
0x5e: {  	_ =	shalt  }
0x5f: {  	_ =	shalt  }
0x60: {  	_ =	shalt  }
0x61: {  	_ =	shalt  }
0x62: {  	_ =	shalt  }
0x63: {  	_ =	shalt  }
0x64: {  	_ =	shalt  }
0x65: {  	_ =	shalt  }
0x66: {  	_ =	shalt  }
0x67: {  	_ =	shalt  }
0x68: {  	_ =	shalt  }
0x69: {  	_ =	shalt  }
0x6a: {  	_ =	shalt  }
0x6b: {  	_ =	shalt  }
0x6c: {  	_ =	shalt  }
0x6d: {  	_ =	shalt  }
0x6e: {  	_ =	shalt  }
0x6f: {  	_ =	shalt  }
0x70: {  	_ =	shalt  }
0x71: {  	_ =	shalt  }
0x72: {  	_ =	shalt  }
0x73: {  	_ =	shalt  }
0x74: {  	_ =	shalt  }
0x75: {  	_ =	shalt  }
0x76: {  	_ =	shalt  }
0x77: {  	_ =	shalt  }
0x78: {  	_ =	shalt  }
0x79: {  	_ =	shalt  }
0x7a: {  	_ =	shalt  }
0x7b: {  	_ =	shalt  }
0x7c: {  	_ =	shalt  }
0x7d: {  	_ =	shalt  }
0x7e: {  	_ =	shalt  }
0x7f: {  	_ =	shalt  }
0x80: {  	_ =	shalt  }
0x81: {  	_ =	shalt  }
0x82: {  	_ =	shalt  }
0x83: {  	_ =	shalt  }
0x84: {  	_ =	shalt  }
0x85: {  	_ =	shalt  }
0x86: {  	_ =	shalt  }
0x87: {  	_ =	shalt  }
.Lfunc_end0:
.L_simem_size_0:
called_computation_lowered:
.L_overlay_start_0:
0x88: {  	s2 =	sld [smem:$0x3FD9]  }
0x89: {  	s3 =	sld [smem:$0x3FFE];
	_ =	sdelay $0x1  }
0x8a: {  	s1 =	srdreg.scid  }
0x8b: {  	s0 =	sand.u32 $0x1, s1  }
0x8c: {  	s17 =	sshll.u32 s0, $0xA;
	s2 =	sadd.s32 s3, s2  }
0x8d: {  	s2 =	sadd.s32 s2, s17  }
0x8e: {  	[smem:$0x3FB9] =	sst s2  }
0x8f: {  	_ = 	snop  }
0x90: {  	s2 =	sld [smem:$0x3FC7]  }
0x91: {  	s18 =	sld [smem:$0x3FC6];
	(tm) =	ssettm $0x1  }
0x92: {  	s4 =	sld [smem:$0x3FFB];
	_ =	sdelay $0x3  }
0x93: {  	_ =	strace s4  }
0x94: {  	s4 =	sld [smem:$0x3FFC];
	_ =	sdelay $0x3  }
0x95: {  	_ =	strace s4  }
0x96: {  	s4 =	sld [smem:$0x3FFD];
	_ =	sdelay $0x3  }
0x97: {  	_ =	strace s4  }
0x98: {  	_ =	strace $0x8FFFFFFF  }
0x99: {  	s19 =	sld [smem:$0x3FDB];
	_ =	sdelay $0x1  }
0x9a: {  	s5 =	simm.s32 $_scs_section_size  }
0x9b: {  	s6 =	simm.s32 $_size__tile_overlayer_lowered;
	s7 =	simm.s32 $_tile_overlayer_lowered  }
0x9c: {  	s22 =	simm.s32 $0x1BFF;
	s21 =	sshll.u32 s7, $0x1;
	s4 =	sadd.s32 s5, s19  }
0x9d: {  	s8 =	simm.s32 $0x0;
	s20 =	sshll.u32 s6, $0x1;
	s6 =	sadd.s32 s21, s4  }
0x9e: {  	[timem:s8], [sflag:s22] =	dma.local [hbm:s6], s20  }
0x9f: {  	_ =	swait.ge [sflag:s22], s20  }
0xa0: {  	s5 =	ssub.s32 $0x0, s20;
	[sflag:s22] =	ssyncset.done $0x0  }
0xa1: {  	[sflag:s22] =	ssyncadd.s32 s5;
	_ =	sdelay $0x1  }
0xa2: {  	s23 =	simm.s32 $0x1B8B  }
0xa3: {  	_ =	swait.ge [sflag:s23], $0x1  }
0xa4: {  	[sflag:s23] =	ssyncset.done $0x0  }
0xa5: {  	s25 =	simm.s32 $0x1B8E;
	s24 =	sld [smem:$0x3FFE];
	[sflag:s23] =	ssyncadd.s32 $0xFFFFFFFF  }
0xa6: {  	s26 =	simm.s32 $execute0_lowered;
	[smem:$0x3FD2] =	sst s25  }
0xa7: {  	s6 =	sshll.u32 s26, $0x1;
	_ =	strace $0x80000046;
	[dreg:$0x1] =	wrdreg $0xFFFFFFFF  }
0xa8: {  	s28 =	simm.s32 $_size_execute0_lowered;
	s4 =	sadd.s32 s4, s6;
	[dreg:$0x0] =	wrdreg $0x0  }
0xa9: {  	s6 =	sshll.u32 s28, $0x1;
	[dreg:$0x2] =	wrdreg s4  }
0xaa: {  	[dreg:$0x3] =	wrdreg s6  }
0xab: {  	[dreg:$0x4] =	wrdreg $0xC0  }
0xac: {  	_ =	task [dreg:s8], $0x5FFFF  }
0xad: {  	[dreg:$0x1] =	wrdreg $0xFFFFFFFF  }
0xae: {  	[dreg:$0x0] =	wrdreg $0x60  }
0xaf: {  	[dreg:$0x2] =	wrdreg s24  }
0xb0: {  	[dreg:$0x3] =	wrdreg s2  }
0xb1: {  	[dreg:$0x4] =	wrdreg s18  }
0xb2: {  	[dreg:$0x5] =	wrdreg $0x196500  }
0xb3: {  	[dreg:$0x6] =	wrdreg $0x9  }
0xb4: {  	_ =	task.clear_ibuf [dreg:s8], $0x7FFFF;
	_ =	strace $0x90000046  }
0xb5: {  	s29 =	simm.s32 $0x9;
	_ =	strace $0x80000048  }
0xb6: {  	_ =	swait.ge [sflag:s29], $0x1  }
0xb7: {  	[sflag:s29] =	ssyncadd.s32 $0xFFFFFFFF  }
0xb8: {  	_ =	strace $0x90000048  }
0xb9: {  	_ =	sfence  }
0xba: {  	s30 =	sld [smem:$0x0];
	_ =	sdelay $0x2  }
0xbb: {  	s31 =	sshll.u32 s1, $0xD;
	s1 =	sshrl.u32 s1, $0x2  }
0xbc: {  	s3 =	sand.u32 $0x4000, s31;
	s1 =	sadd.s32 s1, s30  }
0xbd: {  	s0 =	sor.u32 s3, s0;
	s1 =	sshll.u32 s1, $0x11  }
0xbe: {  	s0 =	sor.u32 s1, s0  }
0xbf: {  	s0 =	sadd.s32 $0x8F2B, s0  }
0xc0: {  	[sflag:s0] =	ssyncadd.remote.s32 $0x1  }
0xc1: {  	_ =	sfence.sel $0xFFFF  }
0xc2: {  	[dreg:$0x0] =	wrdreg $0xFFFFFFFF;
	(pc) =	sbr.abs _section_cstart, $3  }
0xc3: {  	[dreg:$0x1] =	wrdreg $0xFFFFFFFF  }
0xc4: {  	_ =	task.clear_ibuf [dreg:s8], $0x2FFFF;
	_ =	strace $0x9FFFFFFF  }
0xc5: {  	(tm) =	ssettm $0x7FFFFFFF  }
tec
execute0_lowered:
.L_overlay_start_1:
0x0: {  	(tag) =	ssettag $0x1  }
0x1: {  	s0 =	rddreg [dreg:$0x0]  }
0x2: {  	s1 =	rddreg [dreg:$0x1]  }
0x3: {  	s2 =	rddreg [dreg:$0x2]  }
0x4: {  	s3 =	rddreg [dreg:$0x3]  }
0x5: {  	s4 =	simm.s32 $0x0;
	s5 =	stileid.u32;
	s11 =	srdreg.scid  }
0x6: {  	s18 =	simm.s32 $0xC6C00;
	s19 =	simm.s32 $0x19640;
	s20 =	simm.s32 $0x7D0  }
0x7: {  	s21 =	simm.s32 $0x109A0;
	s22 =	simm.s32 $0x11170;
	s23 =	simm.s32 $0x1  }
0x8: {  	s24 =	simm.s32 $0x11940;
	s25 =	simm.s32 $0x0;
	[smem:$0x7FF] =	sst s4  }
0x9: {  	s6 =	sadd.s32 $0x7C00, s0;
	s7 =	sadd.s32 $0x2C00, s0;
	s8 =	sadd.s32 $0x16A00, s0  }
0xa: {  	s13 =	smul.u32 $0x2780, s5;
	s9 =	sadd.s32 $0xCC00, s0;
	s10 =	sadd.s32 $0x2A00, s0  }
0xb: {  	s14 =	sand.u32 $0x1, s11;
	s11 =	sadd.s32 $0x25800, s0;
	s31 =	sshll.u32 s5, $0x6  }
0xc: {  	_ =	strace $0x80000047;
	s12 =	ssub.s32 $0x2, s14;
	s15 =	sshll.u32 s14, $0x4  }
0xd: {  	p0 =	seq.s32 s14, $0x1;
	s14 =	sor.u32 $0x1C02, s31;
	s28 =	sshrl.u32 s13, $0x3  }
0xe: {  	s17 =	sshrl.u32 s12, $0x1;
	s15 =	sor.u32 s5, s15;
	s30 =	sadd.s32 s13, s3  }
0xf: {  	s18 =	simm.s32 @!p0 $0xC1C00;
	s16 =	sadd.s32 s28, s0;
	s29 =	ssub.s32 s12, s17  }
0x10: {  	s12 =	smul.u32 $0x2710, s15;
	s17 =	sshrl.u32 s30, $0x3;
	s13 =	sadd.s32 $0x20800, s16  }
0x11: {  	s15 =	smax.u32 s29, $0x1;
	s16 =	sadd.s32 s18, s16;
	s18 =	simm.s32 $0x2  }
.LBB2_1:
0x12: {  	[spmem:s17], [sflag:s14] =	dma.local [hbm:s13], $0x4F0  }
0x13: {  	_ =	swait.ge [sflag:s18], $0x4F0  }
0x14: {  	[sflag:s18] =	ssyncset.done $0x0  }
0x15: {  	[sflag:s18] =	ssyncadd.s32 $0xFFFFFB10  }
0x16: {  	[tilespmem:s19], [sflag:$0x2] =	stream.linear.gather [hbm4b:s10+s4], $0x10, $0x38;
	[tilespmem:$0x1BDD0] =	vst v63  }
0x17: {  	_ =	swait.ge [sflag:s18], $0x10  }
0x18: {  	[sflag:s18] =	ssyncset.done $0x0  }
0x19: {  	[sflag:s18] =	ssyncadd.s32 $0xFFFFFFF0  }
0x1a: {  	s26 =	simm.s32 $0x0;
	[bflag:$0x0] =	sbarrier.arrive $0xFFFF  }
.LBB2_2:
0x1b: {  	s0 =	smul.u32 $0x7D0, s26;
	_ =	sdelay $0x1  }
0x1c: {  	s28 =	sadd.s32 s12, s0  }
0x1d: {  	s0 =	sshrl.u32 s28, $0x3  }
0x1e: {  	s30 =	simm.s32 $0x0;
	s29 =	sadd.s32 s8, s0  }
0x1f: {  	[tilespmem:s30], [sflag:$0x2] =	stream.linear.gather [hbm4b:s29+s30], $0x7D0, $0x38;
	[tilespmem:$0x1BDD0] =	vst v63  }
0x20: {  	_ =	swait.ge [sflag:s18], $0x7D0  }
0x21: {  	[sflag:s18] =	ssyncset.done $0x0  }
0x22: {  	s29 =	sadd.s32 s9, s0;
	[sflag:s18] =	ssyncadd.s32 $0xFFFFF830  }
0x23: {  	[tilespmem:s20], [sflag:$0x2] =	stream.linear.gather [hbm4b:s29+s30], $0x7D0, $0x38;
	[tilespmem:$0x1BDD0] =	vst v63  }
0x24: {  	_ =	swait.ge [sflag:s18], $0x7D0  }
0x25: {  	[sflag:s18] =	ssyncset.done $0x0  }
0x26: {  	s29 =	sadd.s32 s1, s0;
	[sflag:s18] =	ssyncadd.s32 $0xFFFFF830  }
0x27: {  	[tilespmem:s21], [sflag:$0x2] =	stream.linear.gather [hbm4b:s29+s30], $0x7D0, $0x38;
	[tilespmem:$0x1BDD0] =	vst v63  }
0x28: {  	_ =	swait.ge [sflag:s18], $0x7D0  }
0x29: {  	[sflag:s18] =	ssyncset.done $0x0  }
0x2a: {  	s0 =	sadd.s32 s2, s0;
	[sflag:s18] =	ssyncadd.s32 $0xFFFFF830  }
0x2b: {  	[tilespmem:s22], [sflag:$0x2] =	stream.linear.gather [hbm4b:s0+s30], $0x7D0, $0x38;
	[tilespmem:$0x1BDD0] =	vst v63  }
0x2c: {  	_ =	swait.ge [sflag:s18], $0x7D0  }
0x2d: {  	[sflag:s18] =	ssyncset.done $0x0  }
0x2e: {  	s0 =	simm.s32 $0xFA0;
	[sflag:s18] =	ssyncadd.s32 $0xFFFFF830  }
0x2f: {  	[tilespmem:s0], [sflag:$0x1] =	stream.indirect.gather [hbm4b:s6+s20], $0x10, s30, s20, $0xb8;
	[tilespmem:$0x1BDD0] =	vst v63  }
0x30: {  	s29 =	simm.s32 $0x8CA0  }
0x31: {  	[tilespmem:s29], [sflag:$0x1] =	stream.indirect.gather [hbm4b:s7+s20], $0x10, s20, s20, $0xb8;
	[tilespmem:$0x1BDD0] =	vst v63  }
0x32: {  	_ =	swait.ge [sflag:s23], $0x7D00  }
0x33: {  	[sflag:s23] =	ssyncset.done $0x0  }
0x34: {  	v1 =	vmov s30;
	[sflag:s23] =	ssyncadd.s32 $0xFFFF8300  }
0x35: {  	_ =	swait.ge [sflag:s23], $0x7D00  }
0x36: {  	[sflag:s23] =	ssyncset.done $0x0  }
0x37: {  	[sflag:s23] =	ssyncadd.s32 $0xFFFF8300  }
0x38: {  	v0 =	vld [tilespmem:$0x19640]  }
0x39: {  	v2 =	vld.idx.msk [tilespmem:v1+s21+$0x0], $0xffff  }
0x3a: {  	v3 =	vld [tilespmem:s29+$0x0]  }
0x3b: {  	v4 =	vld [tilespmem:s0+$0x0];
	_ =	sdelay $0x3  }
0x3c: {  	v1 =	vld.idx.msk [tilespmem:v1+s22+$0x0], $0xffff  }
0x3d: {  	v3 =	vadd.f32 v3, v4;
	v2 =	vmul.f32 v2, v0;
	_ =	sdelay $0x1  }
0x3e: {  	v2 =	vadd.f32 v3, v2;
	_ =	sdelay $0x1  }
0x3f: {  	v1 =	vadd.f32 v2, v1;
	_ =	sdelay $0x1  }
0x40: {  	v2 =	vmul.f32 $2.000000030e-01, v1  }
0x41: {  	vm0 =	vge.f32 v1, $0.0e+00  }
0x42: {  	v1 =	vsel vm0, v1, v2  }
0x43: {  	v1 =	vmul.f32 $1.442695020e+00, v1;
	_ =	sdelay $0x1  }
0x44: {  	(erf) = vpow2.f32 v1;
	_ =	sdelay $0x4  }
0x45: {  	s0 =	simm.s32 $0x1  }
0x46: {  	v1 =	vmov s0;
	_ =	sdelay $0x2  }
0x47: {  	s29 =	simm.s32 $0x11940;
	v2 =	vpop (erf)  }
0x48: {  	[tilespmem:s29+$0x0] =	vst v2  }
0x49: {  	s30 =	simm.s32 $0x8CB0;
	v2 =	vld.idx.msk [tilespmem:v1+s21+$0x0], $0xffff  }
0x4a: {  	s31 =	simm.s32 $0xFB0;
	v3 =	vld [tilespmem:s30+$0x0]  }
0x4b: {  	v63 =	vld [tilespmem:s31+$0x0];
	_ =	sdelay $0x3  }
0x4c: {  	v1 =	vld.idx.msk [tilespmem:v1+s22+$0x0], $0xffff  }
0x4d: {  	v3 =	vadd.f32 v3, v63;
	v2 =	vmul.f32 v2, v0;
	_ =	sdelay $0x1  }
0x4e: {  	v2 =	vadd.f32 v3, v2;
	_ =	sdelay $0x1  }
0x4f: {  	v1 =	vadd.f32 v2, v1;
	_ =	sdelay $0x1  }
0x50: {  	v2 =	vmul.f32 $2.000000030e-01, v1  }
0x51: {  	vm15 =	vge.f32 v1, $0.0e+00  }
0x52: {  	v1 =	vsel vm15, v1, v2  }
0x53: {  	v1 =	vmul.f32 $1.442695020e+00, v1;
	_ =	sdelay $0x1  }
0x54: {  	(erf) = vpow2.f32 v1;
	_ =	sdelay $0x4  }
0x55: {  	s0 =	simm.s32 $0x2  }
0x56: {  	v1 =	vmov s0  }
0x57: {  	s0 =	simm.s32 $0x3  }
.LBB2_3:
0x58: {  	p0 =	sne.s32 s0, $0x7CF  }
0x59: {  	s29 =	sadd.s32 $0x10, s29;
	v2 =	vpop (erf)  }
0x5a: {  	[tilespmem:s29+$0x0] =	vst v2  }
0x5b: {  	s30 =	sadd.s32 $0x10, s30;
	v2 =	vld.idx.msk [tilespmem:v1+s21+$0x0], $0xffff  }
0x5c: {  	s31 =	sadd.s32 $0x10, s31;
	v3 =	vld [tilespmem:s30+$0x0]  }
0x5d: {  	v4 =	vld [tilespmem:s31+$0x0];
	_ =	sdelay $0x2  }
0x5e: {  	v1 =	vld.idx.msk [tilespmem:v1+s22+$0x0], $0xffff;
	_ =	sdelay $0x1  }
0x5f: {  	v2 =	vmul.f32 v2, v0;
	v3 =	vadd.f32 v3, v4;
	_ =	sdelay $0x1  }
0x60: {  	v2 =	vadd.f32 v3, v2;
	_ =	sdelay $0x1  }
0x61: {  	v1 =	vadd.f32 v2, v1;
	_ =	sdelay $0x1  }
0x62: {  	v2 =	vmul.f32 $2.000000030e-01, v1  }
0x63: {  	vm0 =	vge.f32 v1, $0.0e+00  }
0x64: {  	v1 =	vsel vm0, v1, v2  }
0x65: {  	v1 =	vmul.f32 $1.442695020e+00, v1;
	_ =	sdelay $0x1  }
0x66: {  	(erf) = vpow2.f32 v1;
	_ =	sdelay $0x2  }
.Ltmp0:
0x67: {  	(pc) =	sbr.rel @p0 .LBB2_3-.Ltmp0, $3  }
0x68: {  	_ =	sdelay $0x1  }
0x69: {  	v1 =	vmov s0  }
0x6a: {  	s0 =	sadd.s32 $0x1, s0  }
0x6b: {  	_ =	sdelay $0x1  }
0x6c: {  	s0 =	sadd.s32 $0x10, s29;
	v2 =	vpop (erf)  }
0x6d: {  	[tilespmem:s0+$0x0] =	vst v2  }
0x6e: {  	s30 =	sadd.s32 $0x10, s30;
	v2 =	vld.idx.msk [tilespmem:v1+s21+$0x0], $0xffff  }
0x6f: {  	v3 =	vld [tilespmem:s30+$0x0];
	s30 =	sadd.s32 $0x10, s31  }
0x70: {  	v4 =	vld [tilespmem:s30+$0x0];
	_ =	sdelay $0x3  }
0x71: {  	v63 =	vld.idx.msk [tilespmem:v1+s22+$0x0], $0xffff  }
0x72: {  	v0 =	vmul.f32 v2, v0;
	v3 =	vadd.f32 v3, v4;
	_ =	sdelay $0x1  }
0x73: {  	v0 =	vadd.f32 v3, v0;
	_ =	sdelay $0x1  }
0x74: {  	v0 =	vadd.f32 v0, v63;
	_ =	sdelay $0x1  }
0x75: {  	v1 =	vmul.f32 $2.000000030e-01, v0  }
0x76: {  	vm0 =	vge.f32 v0, $0.0e+00  }
0x77: {  	v0 =	vsel vm0, v0, v1  }
0x78: {  	v0 =	vmul.f32 $1.442695020e+00, v0;
	_ =	sdelay $0x1  }
0x79: {  	(erf) = vpow2.f32 v0;
	_ =	sdelay $0x8  }
0x7a: {  	s0 =	sadd.s32 $0x10, s0;
	v0 =	vpop (erf)  }
0x7b: {  	[tilespmem:s0+$0x0] =	vst v0  }
0x7c: {  	[spmem:s3] =	stream.indirect.scatter.add.f32 [tilespmem:s24], [sflag:$0x2], $0x10, s4, s20, $0xb8;
	[tilespmem:$0x1BDD0] =	vst v63  }
0x7d: {  	s26 =	sadd.s32 $0x1, s26;
	_ =	swait.ge [sflag:s18], $0x7D00  }
0x7e: {  	p0 =	sne.s32 s26, $0x5;
	s31 =	sshll.u32 s28, $0x1;
	[sflag:s18] =	ssyncset.done $0x0  }
.Ltmp1:
0x7f: {  	s0 =	sadd.s32 s11, s31;
	[sflag:s18] =	ssyncadd.s32 $0xFFFF8300;
	(pc) =	sbr.rel @p0 .LBB2_2-.Ltmp1, $4  }
0x80: {  	[hbm4b:s0+s4] =	stream.linear.scatter [tilespmem:s24], [sflag:$0x2], $0x7D00, $0x38;
	[tilespmem:$0x1BDD0] =	vst v63  }
0x81: {  	_ =	swait.ge [sflag:s18], $0x7D00  }
0x82: {  	[sflag:s18] =	ssyncset.done $0x0  }
0x83: {  	[sflag:s18] =	ssyncadd.s32 $0xFFFF8300  }
0x84: {  	s25 =	sadd.s32 $0x1, s25  }
0x85: {  	p0 =	sne.s32 s25, s15  }
.Ltmp2:
0x86: {  	[bflag:$0x0] =	sbarrier.arrive $0xFFFF;
	(pc) =	sbr.rel @p0 .LBB2_1-.Ltmp2, $4  }
0x87: {  	[hbm:s16], [sflag:s14] =	dma.local [spmem:s17], $0x4F0  }
0x88: {  	_ =	swait.ge [sflag:s18], $0x4F0  }
0x89: {  	[sflag:s18] =	ssyncset.done $0x0  }
0x8a: {  	[sflag:s18] =	ssyncadd.s32 $0xFFFFFB10  }
0x8b: {  	_ =	sfence.sel $0x180000  }
0x8c: {  	[bflag:$0x0] =	sbarrier.arrive $0xFFFF  }
0x8d: {  	_ =	strace $0x90000047  }
0x8e: {  	[bflag:$0x2] =	sbarrier.arrive $0xFFFF  }
0x8f: {  	p0 =	sne.s32 s5, $0x0;
	s0 =	rddreg [dreg:$0x4]  }
0x90: {  	s0 =	sadd.s32 @!p0 $0x100000, s0  }
0x91: {  	[sflag:s0] =	ssyncadd.tile.s32 @!p0 $0x1;
	_ =	shalt  }
.Lfunc_end2:
_tile_overlayer_lowered:
.L_overlay_start_2:
0x92: {  	(tag) =	ssettag $0x2  }
0x93: {  	s0 =	rddreg [dreg:$0x0];
	s2 =	stileid.u32  }
0x94: {  	s1 =	rddreg [dreg:$0x1];
	p0 =	sne.s32 s2, $0x0  }
0x95: {  	s3 =	rddreg [dreg:$0x2];
	[bflag:$0x3] =	sbarrier.arrive $0xFFFF;
	s2 =	simm.s32 @!p0 $0x1C02  }
0x96: {  	[timem:s3], [sflag:s2] =	dma.local @!p0 [hbm:s0], s1  }
0x97: {  	s0 =	simm.s32 @!p0 $0x2  }
0x98: {  	_ =	swait.ge @!p0 [sflag:s0], s1  }
0x99: {  	s1 =	ssub.s32 @!p0 $0x0, s1;
	[sflag:s0] =	ssyncset.done @!p0 $0x0  }
0x9a: {  	[sflag:s0] =	ssyncadd.s32 @!p0 s1  }
0x9b: {  	[bflag:$0x3] =	sbarrier.arrive $0xFFFF  }
0x9c: {  	_ =	shalt  }

// kernel: kernel.9.cloned.1.call-start
scs
__scs_entry_jumppad:
0x0: {  	(pc) =	sbr.rel $0x88, $3  }
0x1: {  	(tag) =	ssettag $0x0;
	lr =	simm.s32 $0x1  }
0x2: {  	[smem:$0x3F92] =	sst lr;
	_ =	strace $0xD0000000  }
0x3: {  	_ = 	snop  }
0x4: {  	_ = 	snop  }
0x5: {  	_ = 	snop  }
0x6: {  	_ = 	snop  }
0x7: {  	_ = 	snop  }
__scs_overlays_trampoline_lowered:
0x8: {  	[smem:$0x3FA1] =	sst s0  }
0x9: {  	[smem:$0x3FA2] =	sst s1  }
0xa: {  	[smem:$0x3FA3] =	sst s2  }
0xb: {  	[smem:$0x3FA4] =	sst s3  }
0xc: {  	[smem:$0x3FA5] =	sst s4  }
0xd: {  	[smem:$0x3FA6] =	sst s5  }
0xe: {  	[smem:$0x3FA7] =	sst s6  }
0xf: {  	[smem:$0x3FA8] =	sst s7  }
0x10: {  	[smem:$0x3FA9] =	sst s8  }
0x11: {  	[smem:$0x3FAA] =	sst s9;
	s0 =	simm.s32 @!p0 $0x0  }
0x12: {  	s1 =	sld [smem:$0x3F90];
	s0 =	simm.s32 @p0 $0x1  }
0x13: {  	[smem:$0x3FAB] =	sst s0;
	s0 =	simm.s32 @!p1 $0x0  }
0x14: {  	s2 =	sld [smem:$0x3F8F];
	s0 =	simm.s32 @p1 $0x1  }
0x15: {  	[smem:$0x3FAC] =	sst s0;
	s0 =	simm.s32 @!p2 $0x0  }
0x16: {  	s3 =	sld [smem:$0x3FDB];
	s0 =	simm.s32 @p2 $0x1  }
0x17: {  	s4 =	simm.s32 $0x1BF5;
	[smem:$0x3FAE] =	sst s0  }
0x18: {  	s0 =	sld [smem:$0x3F91];
	_ =	swait.ge [sflag:s4], $0x0  }
0x19: {  	s7 =	sld [smem:$0x3F92]  }
0x1a: {  	s8 =	sadd.s32 $0xFFFFE003, lr  }
0x1b: {  	s9 =	sadd.s32 $0xFFFFFEF7, lr;
	s5 =	simm.s32 $0xFFFFFFFF;
	p2 =	slt.u32 s8, $0xFFFFF086  }
0x1c: {  	p1 =	slt.u32 s9, $0xF7A;
	s5 =	simm.s32 @!p2 $0x0  }
0x1d: {  	s5 =	simm.s32 @p1 $0x1;
	p0 =	seq.s32 s7, s2  }
0x1e: {  	s7 =	smul.u32 @!p0 $0xF7A, s2;
	p2 =	seq.s32 @!p0 s5, $0x0  }
0x1f: {  	s9 =	smul.u32 $0xF7A, s1;
	s8 =	simm.s32 @!p0 $0x1BF5;
	p2 =	por !p2, p0  }
0x20: {  	[sflag:s8] =	ssyncset.s32 @!p0 $0xFFFFF086;
	s6 =	sadd.s32 @!p0 s3, s7;
	s7 =	simm.s32 @!p0 $0x108  }
0x21: {  	s3 =	sadd.s32 s3, s9;
	s6 =	sadd.s32 @!p0 $0x88, s6;
	s7 =	simm.s32 @p2 $0x1082  }
0x22: {  	[simem:s7], [sflag:s8] =	dma.local @!p0 [hbm:s6], $0xF7A  }
0x23: {  	s9 =	sor.u32 $0xD0000000, s2;
	s6 =	simm.s32 $0x108;
	_ =	swait.ge @!p0 [sflag:s8], $0x0  }
0x24: {  	s3 =	sadd.s32 $0x88, s3;
	s6 =	simm.s32 @!p1 $0x1082;
	[sflag:s4] =	ssyncset.s32 $0xFFFFF086  }
0x25: {  	[simem:s6], [sflag:s4] =	dma.local [hbm:s3], $0xF7A  }
0x26: {  	[smem:$0x3F92] =	sst s1;
	(tag) =	ssettag s2;
	_ =	strace s9  }
0x27: {  	s1 =	sld [smem:$0x3FA2]  }
0x28: {  	s2 =	sld [smem:$0x3FA3]  }
0x29: {  	s4 =	sld [smem:$0x3FA5]  }
0x2a: {  	p0 =	seq.s32 s5, $0x0;
	s5 =	sld [smem:$0x3FA6]  }
0x2b: {  	s6 =	sld [smem:$0x3FA7]  }
0x2c: {  	s7 =	sld [smem:$0x3FA8]  }
0x2d: {  	s3 =	simm.s32 $0x108;
	s8 =	sld [smem:$0x3FA9]  }
0x2e: {  	s3 =	simm.s32 @!p0 $0x1082;
	s9 =	sld [smem:$0x3FAA]  }
0x2f: {  	lr =	sadd.s32 s0, s3;
	s0 =	sld [smem:$0x3FA1]  }
0x30: {  	s3 =	sld [smem:$0x3FA4]  }
0x31: {  	[smem:$0x3FAD] =	sst s10  }
0x32: {  	s10 =	sld [smem:$0x3FAB];
	_ =	sdelay $0x3  }
0x33: {  	p0 =	seq.s32 s10, $0x1;
	s10 =	sld [smem:$0x3FAD];
	_ =	sdelay $0x3  }
0x34: {  	[smem:$0x3FAD] =	sst s10  }
0x35: {  	s10 =	sld [smem:$0x3FAC];
	_ =	sdelay $0x3  }
0x36: {  	p1 =	seq.s32 s10, $0x1;
	s10 =	sld [smem:$0x3FAD];
	_ =	sdelay $0x3  }
0x37: {  	[smem:$0x3FAD] =	sst s10  }
0x38: {  	s10 =	sld [smem:$0x3FAE]  }
0x39: {  	_ = 	snop;
	(pc) =	sbr.ind lr, $3  }
0x3a: {  	_ = 	snop  }
0x3b: {  	_ = 	snop  }
0x3c: {  	p2 =	seq.s32 s10, $0x1;
	s10 =	sld [smem:$0x3FAD]  }
0x3d: {  	_ =	shalt  }
0x3e: {  	_ =	shalt  }
0x3f: {  	_ =	shalt  }
0x40: {  	_ =	shalt  }
0x41: {  	_ =	shalt  }
0x42: {  	_ =	shalt  }
0x43: {  	_ =	shalt  }
0x44: {  	_ =	shalt  }
0x45: {  	_ =	shalt  }
0x46: {  	_ =	shalt  }
0x47: {  	_ =	shalt  }
0x48: {  	_ =	shalt  }
0x49: {  	_ =	shalt  }
0x4a: {  	_ =	shalt  }
0x4b: {  	_ =	shalt  }
0x4c: {  	_ =	shalt  }
0x4d: {  	_ =	shalt  }
0x4e: {  	_ =	shalt  }
0x4f: {  	_ =	shalt  }
0x50: {  	_ =	shalt  }
0x51: {  	_ =	shalt  }
0x52: {  	_ =	shalt  }
0x53: {  	_ =	shalt  }
0x54: {  	_ =	shalt  }
0x55: {  	_ =	shalt  }
0x56: {  	_ =	shalt  }
0x57: {  	_ =	shalt  }
0x58: {  	_ =	shalt  }
0x59: {  	_ =	shalt  }
0x5a: {  	_ =	shalt  }
0x5b: {  	_ =	shalt  }
0x5c: {  	_ =	shalt  }
0x5d: {  	_ =	shalt  }
0x5e: {  	_ =	shalt  }
0x5f: {  	_ =	shalt  }
0x60: {  	_ =	shalt  }
0x61: {  	_ =	shalt  }
0x62: {  	_ =	shalt  }
0x63: {  	_ =	shalt  }
0x64: {  	_ =	shalt  }
0x65: {  	_ =	shalt  }
0x66: {  	_ =	shalt  }
0x67: {  	_ =	shalt  }
0x68: {  	_ =	shalt  }
0x69: {  	_ =	shalt  }
0x6a: {  	_ =	shalt  }
0x6b: {  	_ =	shalt  }
0x6c: {  	_ =	shalt  }
0x6d: {  	_ =	shalt  }
0x6e: {  	_ =	shalt  }
0x6f: {  	_ =	shalt  }
0x70: {  	_ =	shalt  }
0x71: {  	_ =	shalt  }
0x72: {  	_ =	shalt  }
0x73: {  	_ =	shalt  }
0x74: {  	_ =	shalt  }
0x75: {  	_ =	shalt  }
0x76: {  	_ =	shalt  }
0x77: {  	_ =	shalt  }
0x78: {  	_ =	shalt  }
0x79: {  	_ =	shalt  }
0x7a: {  	_ =	shalt  }
0x7b: {  	_ =	shalt  }
0x7c: {  	_ =	shalt  }
0x7d: {  	_ =	shalt  }
0x7e: {  	_ =	shalt  }
0x7f: {  	_ =	shalt  }
0x80: {  	_ =	shalt  }
0x81: {  	_ =	shalt  }
0x82: {  	_ =	shalt  }
0x83: {  	_ =	shalt  }
0x84: {  	_ =	shalt  }
0x85: {  	_ =	shalt  }
0x86: {  	_ =	shalt  }
0x87: {  	_ =	shalt  }
.Lfunc_end0:
.L_simem_size_0:
called_computation.1_lowered:
.L_overlay_start_0:
0x88: {  	s2 =	sld [smem:$0x3FD9]  }
0x89: {  	s3 =	sld [smem:$0x3FFE];
	_ =	sdelay $0x1  }
0x8a: {  	s1 =	srdreg.scid  }
0x8b: {  	s0 =	sand.u32 $0x1, s1  }
0x8c: {  	s17 =	sshll.u32 s0, $0xA;
	s2 =	sadd.s32 s3, s2  }
0x8d: {  	s2 =	sadd.s32 s2, s17  }
0x8e: {  	[smem:$0x3FB9] =	sst s2  }
0x8f: {  	_ = 	snop  }
0x90: {  	s2 =	sld [smem:$0x3FD0];
	(tm) =	ssettm $0x1  }
0x91: {  	s18 =	sld [smem:$0x3FFB];
	_ =	sdelay $0x3  }
0x92: {  	_ =	strace s18  }
0x93: {  	s3 =	sld [smem:$0x3FFC];
	_ =	sdelay $0x3  }
0x94: {  	_ =	strace s3  }
0x95: {  	s3 =	sld [smem:$0x3FFD];
	_ =	sdelay $0x3  }
0x96: {  	_ =	strace s3  }
0x97: {  	_ =	strace $0x8FFFFFFF  }
0x98: {  	s19 =	sld [smem:$0x3FDB];
	_ =	sdelay $0x1  }
0x99: {  	s4 =	simm.s32 $_scs_section_size  }
0x9a: {  	s5 =	simm.s32 $_size__tile_overlayer_lowered;
	s6 =	simm.s32 $_tile_overlayer_lowered  }
0x9b: {  	s22 =	simm.s32 $0x1BFF;
	s21 =	sshll.u32 s6, $0x1;
	s3 =	sadd.s32 s4, s19  }
0x9c: {  	s7 =	simm.s32 $0x0;
	s20 =	sshll.u32 s5, $0x1;
	s5 =	sadd.s32 s21, s3  }
0x9d: {  	[timem:s7], [sflag:s22] =	dma.local [hbm:s5], s20  }
0x9e: {  	_ =	swait.ge [sflag:s22], s20  }
0x9f: {  	s4 =	ssub.s32 $0x0, s20;
	[sflag:s22] =	ssyncset.done $0x0  }
0xa0: {  	[sflag:s22] =	ssyncadd.s32 s4;
	_ =	sdelay $0x1  }
0xa1: {  	s23 =	simm.s32 $0x1B8B  }
0xa2: {  	_ =	swait.ge [sflag:s23], $0x1  }
0xa3: {  	[sflag:s23] =	ssyncset.done $0x0  }
0xa4: {  	s25 =	simm.s32 $0x1B8E;
	s24 =	sld [smem:$0x3FFE];
	[sflag:s23] =	ssyncadd.s32 $0xFFFFFFFF  }
0xa5: {  	s26 =	simm.s32 $execute0_lowered;
	[smem:$0x3FD2] =	sst s25  }
0xa6: {  	s5 =	sshll.u32 s26, $0x1;
	_ =	strace $0x80000049;
	[dreg:$0x1] =	wrdreg $0xFFFFFFFF  }
0xa7: {  	s28 =	simm.s32 $_size_execute0_lowered;
	s3 =	sadd.s32 s3, s5;
	[dreg:$0x0] =	wrdreg $0x0  }
0xa8: {  	s5 =	sshll.u32 s28, $0x1;
	[dreg:$0x2] =	wrdreg s3  }
0xa9: {  	[dreg:$0x3] =	wrdreg s5  }
0xaa: {  	[dreg:$0x4] =	wrdreg $0xC0  }
0xab: {  	_ =	task [dreg:s7], $0x5FFFF  }
0xac: {  	[dreg:$0x1] =	wrdreg $0xFFFFFFFF  }
0xad: {  	[dreg:$0x0] =	wrdreg $0x60  }
0xae: {  	[dreg:$0x2] =	wrdreg s2  }
0xaf: {  	[dreg:$0x3] =	wrdreg s24  }
0xb0: {  	[dreg:$0x4] =	wrdreg $0x8B100  }
0xb1: {  	[dreg:$0x5] =	wrdreg $0x9  }
0xb2: {  	_ =	task.clear_ibuf [dreg:s7], $0x6FFFF;
	_ =	strace $0x90000049  }
0xb3: {  	s29 =	simm.s32 $0x9;
	_ =	strace $0x8000004B  }
0xb4: {  	_ =	swait.ge [sflag:s29], $0x1  }
0xb5: {  	[sflag:s29] =	ssyncadd.s32 $0xFFFFFFFF  }
0xb6: {  	_ =	strace $0x9000004B  }
0xb7: {  	_ =	sfence  }
0xb8: {  	s30 =	sld [smem:$0x0];
	_ =	sdelay $0x2  }
0xb9: {  	s31 =	sshll.u32 s1, $0xD;
	s1 =	sshrl.u32 s1, $0x2  }
0xba: {  	s3 =	sand.u32 $0x4000, s31;
	s1 =	sadd.s32 s1, s30  }
0xbb: {  	s0 =	sor.u32 s3, s0;
	s1 =	sshll.u32 s1, $0x11  }
0xbc: {  	s0 =	sor.u32 s1, s0  }
0xbd: {  	s0 =	sadd.s32 $0x8F2B, s0  }
0xbe: {  	[sflag:s0] =	ssyncadd.remote.s32 $0x1  }
0xbf: {  	_ =	sfence.sel $0xFFFF  }
0xc0: {  	[dreg:$0x0] =	wrdreg $0xFFFFFFFF;
	(pc) =	sbr.abs _section_cstart, $3  }
0xc1: {  	[dreg:$0x1] =	wrdreg $0xFFFFFFFF  }
0xc2: {  	_ =	task.clear_ibuf [dreg:s7], $0x2FFFF;
	_ =	strace $0x9FFFFFFF  }
0xc3: {  	(tm) =	ssettm $0x7FFFFFFF  }
tec
execute0_lowered:
.L_overlay_start_1:
0x0: {  	(tag) =	ssettag $0x1  }
0x1: {  	s1 =	rddreg [dreg:$0x0]  }
0x2: {  	s10 =	rddreg [dreg:$0x1]  }
0x3: {  	s3 =	rddreg [dreg:$0x2]  }
0x4: {  	s0 =	rddreg [dreg:$0x3];
	s4 =	simm.s32 $0x0  }
0x5: {  	s2 =	stileid.u32;
	s7 =	srdreg.scid;
	s17 =	simm.s32 $0xC8  }
0x6: {  	s18 =	simm.s32 $0x190;
	s19 =	simm.s32 $0x7210;
	s20 =	simm.s32 $0x7E90  }
0x7: {  	s21 =	simm.s32 $0x6590;
	s22 =	simm.s32 $0x1;
	s23 =	simm.s32 $0x0  }
0x8: {  	s29 =	simm.s32 $0x0;
	[smem:$0x7FF] =	sst s4;
	s11 =	smul.u32 $0x13C00, s2  }
0x9: {  	s5 =	sadd.s32 $0xC1C00, s10;
	s6 =	sadd.s32 $0xC6C00, s10;
	s12 =	sand.u32 $0x1, s7  }
0xa: {  	s7 =	sadd.s32 $0x25800, s10;
	s8 =	sadd.s32 $0x16A00, s10;
	s9 =	sadd.s32 $0xCC00, s10  }
0xb: {  	s31 =	sshll.u32 s2, $0x6;
	_ =	strace $0x8000004A;
	s14 =	smul.u32 $0x13C000, s12  }
0xc: {  	s15 =	ssub.s32 $0x2, s12;
	s12 =	sshll.u32 s12, $0x4;
	s13 =	sshrl.u32 s11, $0x3  }
0xd: {  	s16 =	sshrl.u32 s15, $0x1;
	s12 =	sor.u32 s2, s12;
	s30 =	sadd.s32 s11, s3  }
0xe: {  	s13 =	sadd.s32 s13, s10;
	s14 =	sadd.s32 s11, s14;
	s15 =	ssub.s32 s15, s16  }
0xf: {  	s16 =	simm.s32 $0x2;
	s14 =	sshrl.u32 s14, $0x3;
	s11 =	sadd.s32 $0xCBC00, s13  }
0x10: {  	s14 =	sadd.s32 s14, s10;
	s10 =	smul.u32 $0x2710, s12;
	s12 =	sor.u32 $0x1C02, s31  }
0x11: {  	s13 =	sadd.s32 $0xF3400, s14;
	s14 =	smax.u32 s15, $0x1;
	s15 =	sshrl.u32 s30, $0x3  }
.LBB2_1:
0x12: {  	[spmem:s15], [sflag:s12] =	dma.local [hbm:s11], $0x2780  }
0x13: {  	_ =	swait.ge [sflag:s16], $0x2780  }
0x14: {  	[sflag:s16] =	ssyncset.done $0x0  }
0x15: {  	[sflag:s16] =	ssyncadd.s32 $0xFFFFD880  }
0x16: {  	s24 =	simm.s32 $0x0;
	[bflag:$0x0] =	sbarrier.arrive $0xFFFF  }
.LBB2_2:
0x17: {  	s25 =	smul.u32 $0xC8, s24;
	_ =	sdelay $0x1  }
0x18: {  	s25 =	sadd.s32 s10, s25  }
0x19: {  	s26 =	sshrl.u32 s25, $0x3  }
0x1a: {  	s28 =	sadd.s32 s8, s26  }
0x1b: {  	[tilespmem:s29], [sflag:$0x2] =	stream.linear.gather [hbm4b:s28+s29], $0xC8, $0x38;
	[tilespmem:$0x1C710] =	vst v63  }
0x1c: {  	_ =	swait.ge [sflag:s16], $0xC8  }
0x1d: {  	[sflag:s16] =	ssyncset.done $0x0  }
0x1e: {  	s26 =	sadd.s32 s9, s26;
	[sflag:s16] =	ssyncadd.s32 $0xFFFFFF38  }
0x1f: {  	[tilespmem:s17], [sflag:$0x2] =	stream.linear.gather [hbm4b:s26+s29], $0xC8, $0x38;
	[tilespmem:$0x1C710] =	vst v63  }
0x20: {  	_ =	swait.ge [sflag:s16], $0xC8  }
0x21: {  	[sflag:s16] =	ssyncset.done $0x0  }
0x22: {  	[sflag:s16] =	ssyncadd.s32 $0xFFFFFF38  }
0x23: {  	[tilespmem:s18], [sflag:$0x1] =	stream.indirect.gather [hbm4b:s1+s17], $0x80, s17, s17, $0xb8;
	[tilespmem:$0x1C710] =	vst v63  }
0x24: {  	_ = 	snop  }
0x25: {  	[tilespmem:s19], [sflag:$0x1] =	stream.indirect.gather [hbm4b:s5+s17], $0x10, s29, s17, $0xb8;
	[tilespmem:$0x1C710] =	vst v63  }
0x26: {  	s25 =	sshll.u32 s25, $0x1  }
0x27: {  	[tilespmem:s20], [sflag:$0x1] =	stream.indirect.gather [hbm4b:s6+s17], $0x10, s29, s17, $0xb8;
	[tilespmem:$0x1C710] =	vst v63  }
0x28: {  	s25 =	sadd.s32 s7, s25  }
0x29: {  	[tilespmem:s21], [sflag:$0x2] =	stream.linear.gather [hbm4b:s25+s29], $0xC80, $0x38;
	[tilespmem:$0x1C710] =	vst v63  }
0x2a: {  	_ =	swait.ge [sflag:s16], $0xC80  }
0x2b: {  	[sflag:s16] =	ssyncset.done $0x0  }
0x2c: {  	[sflag:s16] =	ssyncadd.s32 $0xFFFFF380  }
0x2d: {  	_ =	swait.ge [sflag:s22], $0x6400  }
0x2e: {  	[sflag:s22] =	ssyncset.done $0x0  }
0x2f: {  	[sflag:s22] =	ssyncadd.s32 $0xFFFF9C00  }
0x30: {  	_ =	swait.ge [sflag:s22], $0xC80  }
0x31: {  	[sflag:s22] =	ssyncset.done $0x0  }
0x32: {  	[sflag:s22] =	ssyncadd.s32 $0xFFFFF380  }
0x33: {  	_ =	swait.ge [sflag:s22], $0xC80  }
0x34: {  	[sflag:s22] =	ssyncset.done $0x0  }
0x35: {  	s31 =	simm.s32 $0x0;
	[sflag:s22] =	ssyncadd.s32 $0xFFFFF380  }
0x36: {  	v0 =	vld [tilespmem:s31+$0x7210]  }
0x37: {  	v1 =	vld [tilespmem:s31+$0x7E90];
	_ =	sdelay $0x4  }
0x38: {  	v0 =	vadd.f32 v1, v0;
	_ =	sdelay $0x1  }
0x39: {  	v0 =	vadd.f32 $9.999999960e-13, v0;
	_ =	sdelay $0x1  }
0x3a: {  	(erf) = vrcp.f32 v0;
	_ =	sdelay $0x4  }
0x3b: {  	v0 =	vld [tilespmem:s31+$0x6590]  }
0x3c: {  	s25 =	simm.s32 $0x1D0  }
0x3d: {  	v1 =	vld [tilespmem:s25+$0xFFFFFFC0]  }
0x3e: {  	v2 =	vld [tilespmem:s25+$0xFFFFFFD0]  }
0x3f: {  	v3 =	vld [tilespmem:s25+$0xFFFFFFE0];
	v4 =	vpop (erf)  }
0x40: {  	v5 =	vld [tilespmem:s25+$0xFFFFFFF0];
	v0 =	vmul.f32 v4, v0  }
0x41: {  	v63 =	vld [tilespmem:s25+$0x0]  }
0x42: {  	v6 =	vld [tilespmem:s25+$0x10];
	v1 =	vmul.f32 v0, v1  }
0x43: {  	v7 =	vld [tilespmem:s25+$0x20];
	v2 =	vmul.f32 v0, v2  }
0x44: {  	v8 =	vld [tilespmem:s25+$0x30];
	v3 =	vmul.f32 v3, v0;
	[tilespmem:s25+$0xFFFFFFC0] =	vst v1  }
0x45: {  	v1 =	vmul.f32 v5, v0;
	[tilespmem:s25+$0xFFFFFFD0] =	vst v2  }
0x46: {  	v2 =	vmul.f32 v63, v0;
	[tilespmem:s25+$0xFFFFFFE0] =	vst v3  }
0x47: {  	v3 =	vmul.f32 v6, v0;
	[tilespmem:s25+$0xFFFFFFF0] =	vst v1  }
0x48: {  	v1 =	vmul.f32 v7, v0;
	[tilespmem:s25+$0x0] =	vst v2  }
0x49: {  	v0 =	vmul.f32 v8, v0;
	[tilespmem:s25+$0x10] =	vst v3  }
0x4a: {  	[tilespmem:s25+$0x20] =	vst v1  }
0x4b: {  	s28 =	simm.s32 $0x10;
	[tilespmem:s25+$0x30] =	vst v0  }
0x4c: {  	s26 =	simm.s32 $0x80;
	v0 =	vld [tilespmem:s28+$0x7210]  }
.LBB2_3:
0x4d: {  	p0 =	sne.s32 s26, $0x31C0;
	v1 =	vld [tilespmem:s28+$0x7E90]  }
0x4e: {  	v2 =	vld [tilespmem:s28+$0x6590];
	_ =	sdelay $0x3  }
0x4f: {  	v0 =	vadd.f32 v1, v0;
	_ =	sdelay $0x1  }
0x50: {  	v0 =	vadd.f32 $9.999999960e-13, v0;
	_ =	sdelay $0x1  }
0x51: {  	(erf) = vrcp.f32 v0;
	_ =	sdelay $0x1  }
0x52: {  	s25 =	sadd.s32 $0x80, s25  }
0x53: {  	v0 =	vld [tilespmem:s25+$0xFFFFFFF0]  }
0x54: {  	v1 =	vld [tilespmem:s25+$0x30]  }
0x55: {  	v3 =	vld [tilespmem:s25+$0x10]  }
0x56: {  	v4 =	vld [tilespmem:s25+$0xFFFFFFD0]  }
0x57: {  	v5 =	vld [tilespmem:s25+$0xFFFFFFC0]  }
0x58: {  	v6 =	vld [tilespmem:s25+$0xFFFFFFE0]  }
0x59: {  	v7 =	vld [tilespmem:s25+$0x0];
	v8 =	vpop (erf)  }
0x5a: {  	v2 =	vmul.f32 v8, v2;
	v8 =	vld [tilespmem:s25+$0x20];
	_ =	sdelay $0x1  }
0x5b: {  	v5 =	vmul.f32 v2, v5;
	v4 =	vmul.f32 v2, v4  }
0x5c: {  	v0 =	vmul.f32 v0, v2;
	v6 =	vmul.f32 v6, v2  }
0x5d: {  	v3 =	vmul.f32 v3, v2;
	[tilespmem:s25+$0xFFFFFFC0] =	vst v5;
	v5 =	vmul.f32 v7, v2  }
0x5e: {  	v1 =	vmul.f32 v1, v2;
	[tilespmem:s25+$0xFFFFFFD0] =	vst v4;
	v4 =	vmul.f32 v8, v2  }
0x5f: {  	[tilespmem:s25+$0xFFFFFFE0] =	vst v6  }
0x60: {  	[tilespmem:s25+$0xFFFFFFF0] =	vst v0  }
.Ltmp0:
0x61: {  	[tilespmem:s25+$0x0] =	vst v5;
	(pc) =	sbr.rel @p0 .LBB2_3-.Ltmp0, $4  }
0x62: {  	[tilespmem:s25+$0x10] =	vst v3  }
0x63: {  	[tilespmem:s25+$0x20] =	vst v4  }
0x64: {  	s28 =	sshra.s32 s26, $0x2;
	[tilespmem:s25+$0x30] =	vst v1  }
0x65: {  	s26 =	sadd.s32 $0x40, s26;
	v0 =	vld [tilespmem:s28+$0x7210]  }
0x66: {  	v1 =	vld [tilespmem:s28+$0x7E90];
	_ =	sdelay $0x4  }
0x67: {  	v0 =	vadd.f32 v1, v0;
	_ =	sdelay $0x1  }
0x68: {  	v0 =	vadd.f32 $9.999999960e-13, v0;
	_ =	sdelay $0x1  }
0x69: {  	(erf) = vrcp.f32 v0;
	_ =	sdelay $0x4  }
0x6a: {  	v57 =	vld [tilespmem:s28+$0x6590]  }
0x6b: {  	s25 =	sadd.s32 $0x80, s25  }
0x6c: {  	v58 =	vld [tilespmem:s25+$0xFFFFFFC0]  }
0x6d: {  	v2 =	vld [tilespmem:s25+$0xFFFFFFD0]  }
0x6e: {  	v3 =	vld [tilespmem:s25+$0xFFFFFFE0];
	v4 =	vpop (erf)  }
0x6f: {  	v5 =	vld [tilespmem:s25+$0xFFFFFFF0];
	v0 =	vmul.f32 v4, v57  }
0x70: {  	v59 =	vld [tilespmem:s25+$0x0]  }
0x71: {  	v6 =	vld [tilespmem:s25+$0x10];
	v1 =	vmul.f32 v0, v58  }
0x72: {  	v7 =	vld [tilespmem:s25+$0x20];
	v2 =	vmul.f32 v0, v2  }
0x73: {  	v8 =	vld [tilespmem:s25+$0x30];
	v3 =	vmul.f32 v3, v0;
	[tilespmem:s25+$0xFFFFFFC0] =	vst v1  }
0x74: {  	v60 =	vmul.f32 v5, v0;
	[tilespmem:s25+$0xFFFFFFD0] =	vst v2  }
0x75: {  	v61 =	vmul.f32 v59, v0;
	[tilespmem:s25+$0xFFFFFFE0] =	vst v3  }
0x76: {  	v62 =	vmul.f32 v6, v0;
	[tilespmem:s25+$0xFFFFFFF0] =	vst v60  }
0x77: {  	v63 =	vmul.f32 v7, v0;
	[tilespmem:s25+$0x0] =	vst v61  }
0x78: {  	s24 =	sadd.s32 $0x1, s24;
	v0 =	vmul.f32 v8, v0;
	[tilespmem:s25+$0x10] =	vst v62  }
0x79: {  	p0 =	sne.s32 s24, $0x32;
	[tilespmem:s25+$0x20] =	vst v63  }
.Ltmp1:
0x7a: {  	[tilespmem:s25+$0x30] =	vst v0;
	(pc) =	sbr.rel @p0 .LBB2_2-.Ltmp1, $4  }
0x7b: {  	[spmem:s3] =	stream.indirect.scatter.add.f32 [tilespmem:s18], [sflag:$0x2], $0x80, s4, s17, $0xb8;
	[tilespmem:$0x1C710] =	vst v63  }
0x7c: {  	_ =	swait.ge [sflag:s16], $0x6400  }
0x7d: {  	[sflag:s16] =	ssyncset.done $0x0  }
0x7e: {  	[sflag:s16] =	ssyncadd.s32 $0xFFFF9C00  }
0x7f: {  	s23 =	sadd.s32 $0x1, s23  }
0x80: {  	p0 =	sne.s32 s23, s14  }
.Ltmp2:
0x81: {  	[bflag:$0x0] =	sbarrier.arrive $0xFFFF;
	(pc) =	sbr.rel @p0 .LBB2_1-.Ltmp2, $4  }
0x82: {  	[hbm:s13], [sflag:s12] =	dma.local [spmem:s15], $0x2780  }
0x83: {  	_ =	swait.ge [sflag:s16], $0x2780  }
0x84: {  	[sflag:s16] =	ssyncset.done $0x0  }
0x85: {  	[sflag:s16] =	ssyncadd.s32 $0xFFFFD880  }
0x86: {  	_ =	sfence.sel $0x180000  }
0x87: {  	[bflag:$0x0] =	sbarrier.arrive $0xFFFF  }
0x88: {  	p0 =	sne.s32 s2, $0x0;
	_ =	strace $0x9000004A  }
0x89: {  	s0 =	sadd.s32 @!p0 $0x100000, s0;
	[bflag:$0x2] =	sbarrier.arrive $0xFFFF  }
0x8a: {  	[sflag:s0] =	ssyncadd.tile.s32 @!p0 $0x1;
	_ =	shalt  }
.Lfunc_end2:
_tile_overlayer_lowered:
.L_overlay_start_2:
0x8b: {  	(tag) =	ssettag $0x2  }
0x8c: {  	s0 =	rddreg [dreg:$0x0];
	s2 =	stileid.u32  }
0x8d: {  	s1 =	rddreg [dreg:$0x1];
	p0 =	sne.s32 s2, $0x0  }
0x8e: {  	s3 =	rddreg [dreg:$0x2];
	[bflag:$0x3] =	sbarrier.arrive $0xFFFF;
	s2 =	simm.s32 @!p0 $0x1C02  }
0x8f: {  	[timem:s3], [sflag:s2] =	dma.local @!p0 [hbm:s0], s1  }
0x90: {  	s0 =	simm.s32 @!p0 $0x2  }
0x91: {  	_ =	swait.ge @!p0 [sflag:s0], s1  }
0x92: {  	s1 =	ssub.s32 @!p0 $0x0, s1;
	[sflag:s0] =	ssyncset.done @!p0 $0x0  }
0x93: {  	[sflag:s0] =	ssyncadd.s32 @!p0 s1  }
0x94: {  	[bflag:$0x3] =	sbarrier.arrive $0xFFFF  }
0x95: {  	_ =	shalt  }

</sc_bundles>
